<compile_context>
chip_gen: v7x
topology: tpu7x:2x2x1
jax: 0.10.2.dev20260603
libtpu: 0.0.44.dev20260713+nightly
codegen_flags: <defaults>
</compile_context>

<pallas_src>
import functools

import jax
import jax.numpy as jnp
from jax import lax
from jax.experimental import pallas as pl
from jax.experimental.pallas import tpu as pltpu
from jax.experimental.pallas import tpu_sc as plsc

N = 100000
D = 128
S = 512
NC = 2
NS = 16
NW = NC * NS
BLK = 128
NB = N // BLK
TAIL = N - NB * BLK
SEG_PER_TILE = S // NS
BASE_BLOCKS = NB // NW
EXTRA_WORKERS = NB - BASE_BLOCKS * NW
MAXB = BASE_BLOCKS + 1


def _sc_partials(x, batch):
    mesh = plsc.VectorSubcoreMesh(core_axis_name="c", subcore_axis_name="s")

    @functools.partial(
        pl.kernel,
        out_type=[
            jax.ShapeDtypeStruct((NC * S, D), jnp.float32),
            jax.ShapeDtypeStruct((NW, S), jnp.float32),
        ],
        mesh=mesh,
        compiler_params=pltpu.CompilerParams(needs_layout_passes=False,
                                             use_tc_tiling_on_sc=False),
        scratch_types=[
            pltpu.VMEM((2, BLK, D), jnp.float32),
            pltpu.VMEM((MAXB, BLK), jnp.int32),
            pltpu.VMEM((TAIL, D), jnp.float32),
            pltpu.VMEM((TAIL,), jnp.int32),
            pltpu.VMEM((S,), jnp.float32),
            pltpu.VMEM((SEG_PER_TILE, D), jnp.float32),
            pltpu.VMEM_SHARED((S, D), jnp.float32),
            pltpu.SemaphoreType.DMA((2,)),
            pltpu.SemaphoreType.DMA,
            pltpu.SemaphoreType.DMA,
        ],
    )
    def sc_kernel(x_hbm, b_hbm, sum_out, cnt_out,
                  xbufs, ids_all, xt, ids_t, hist, zbuf, acc,
                  ld_sems, sc_sem, id_sem):
        c = lax.axis_index("c")
        s = lax.axis_index("s")
        wid = s * NC + c

        sb = BASE_BLOCKS * wid + jnp.minimum(wid, EXTRA_WORKERS)
        nblk = BASE_BLOCKS + jnp.where(wid < EXTRA_WORKERS, 1, 0)

        for k in range(MAXB):
            @pl.when(k < nblk)
            def _stage_ids():
                pltpu.async_copy(b_hbm.at[pl.ds((sb + k) * BLK, BLK)],
                                 ids_all.at[k], id_sem)

        for p in range(2):
            pltpu.async_copy(x_hbm.at[pl.ds((sb + p) * BLK, BLK)],
                             xbufs.at[p], ld_sems.at[p])

        zeros16 = jnp.zeros((16,), jnp.float32)

        def zrow(i, carry):
            def zcol(j, carry2):
                zbuf[i, pl.ds(j * 16, 16)] = zeros16
                return carry2
            return lax.fori_loop(0, D // 16, zcol, carry)
        lax.fori_loop(0, SEG_PER_TILE, zrow, 0)

        def zh(i, carry):
            hist[pl.ds(i * 16, 16)] = zeros16
            return carry
        lax.fori_loop(0, S // 16, zh, 0)

        pltpu.sync_copy(zbuf, acc.at[pl.ds(s * SEG_PER_TILE, SEG_PER_TILE)])
        plsc.subcore_barrier()

        for k in range(MAXB):
            @pl.when(k < nblk)
            def _drain_ids():
                pltpu.make_async_copy(b_hbm.at[pl.ds((sb + k) * BLK, BLK)],
                                      ids_all.at[k], id_sem).wait()

        ones = jnp.full((16,), 1.0, jnp.float32)

        def pair(i, carry):
            for p in range(2):
                k = 2 * i + p

                @pl.when(k < nblk)
                def _block():
                    pltpu.make_async_copy(
                        x_hbm.at[pl.ds((sb + k) * BLK, BLK)],
                        xbufs.at[p], ld_sems.at[p]).wait()
                    h = pltpu.async_copy(xbufs.at[p], acc.at[ids_all.at[k]],
                                         sc_sem, add=True)

                    def grp(g, carry2):
                        idv = ids_all[k, pl.ds(g * 16, 16)]
                        plsc.addupdate_scatter(hist, [idv], ones)
                        return carry2
                    lax.fori_loop(0, BLK // 16, grp, 0)
                    h.wait()

                    @pl.when(k + 2 < nblk)
                    def _next_load():
                        pltpu.async_copy(
                            x_hbm.at[pl.ds((sb + k + 2) * BLK, BLK)],
                            xbufs.at[p], ld_sems.at[p])
            return carry
        lax.fori_loop(0, (MAXB + 1) // 2, pair, 0)

        @pl.when(wid == NW - 1)
        def _tail():
            base = NB * BLK
            pltpu.sync_copy(b_hbm.at[pl.ds(base, TAIL)], ids_t)
            pltpu.sync_copy(x_hbm.at[pl.ds(base, TAIL)], xt)
            pltpu.sync_copy(xt, acc.at[ids_t], add=True)

            def grp(g, carry):
                idv = ids_t[pl.ds(g * 16, 16)]
                plsc.addupdate_scatter(hist, [idv], ones)
                return carry
            lax.fori_loop(0, TAIL // 16, grp, 0)

        pltpu.sync_copy(hist, cnt_out.at[wid])
        plsc.subcore_barrier()
        pltpu.sync_copy(acc.at[pl.ds(s * SEG_PER_TILE, SEG_PER_TILE)],
                        sum_out.at[pl.ds(c * S + s * SEG_PER_TILE,
                                         SEG_PER_TILE)])

    return sc_kernel(x, batch)


def _combine(partial_sums, partial_counts):
    def body(sp_ref, cn_ref, o_ref):
        total = sp_ref[pl.ds(0, S)] + sp_ref[pl.ds(S, S)]
        cnt = jnp.maximum(jnp.sum(cn_ref[...], axis=0), 1.0)
        o_ref[...] = total / cnt[:, None]

    return pl.pallas_call(
        body,
        out_shape=jax.ShapeDtypeStruct((S, D), jnp.float32),
    )(partial_sums, partial_counts)


def kernel(x, batch):
    batch = batch.astype(jnp.int32)
    partial_sums, partial_counts = _sc_partials(x, batch)
    return _combine(partial_sums, partial_counts)

# --- scband reference (transcript-rebuilt; emitter-appended) ---
"""Pipeline reference for scband-pooling-89326729822263 (READ-ONLY COPY).

The authoritative reference and input builder live on the scoring server;
editing this copy changes nothing except your own understanding.
"""

import jax, jax.numpy as jnp
import numpy as np

NUM_GRAPHS = 512

def setup_inputs(seed: int = 0) -> dict:
    key = jax.random.key(seed)
    k1, k2 = jax.random.split(key)
    x = jax.random.normal(k1, (100000, 128), dtype=jnp.float32)
    batch = jnp.sort(jax.random.randint(k2, (100000,), 0, NUM_GRAPHS, dtype=jnp.int64))
    return {"x": x, "batch": batch}

def reference(x, batch):
    # global_mean_pool: segment-wise mean over nodes grouped by batch id
    sums = jax.ops.segment_sum(x, batch, num_segments=NUM_GRAPHS)
    counts = jax.ops.segment_sum(jnp.ones((x.shape[0],), dtype=x.dtype), batch, num_segments=NUM_GRAPHS)
    counts = jnp.clip(counts, 1.0, None)
    return sums / counts[:, None]

if __name__ == "__main__":
    import jax
    _d = setup_inputs()
    print(jax.jit(kernel)(*tuple(_d.values())))

</pallas_src>

<mosaic_0001>
#map = affine_map<(d0, d1) -> (0, 0)>
#map1 = affine_map<(d0, d1) -> (0)>
module attributes {stable_mosaic.version = 14 : i64} {
  func.func @sc_kernel(%arg0: i32, %arg1: i32, %arg2: memref<100000x128xf32, #tpu.memory_space<hbm>>, %arg3: memref<100000xi32, #tpu.memory_space<hbm>>, %arg4: memref<1024x128xf32, #tpu.memory_space<hbm>>, %arg5: memref<32x512xf32, #tpu.memory_space<hbm>>, %arg6: memref<2x128x128xf32, #tpu.memory_space<vmem>>, %arg7: memref<25x128xi32, #tpu.memory_space<vmem>>, %arg8: memref<32x128xf32, #tpu.memory_space<vmem>>, %arg9: memref<32xi32, #tpu.memory_space<vmem>>, %arg10: memref<512xf32, #tpu.memory_space<vmem>>, %arg11: memref<32x128xf32, #tpu.memory_space<vmem>>, %arg12: memref<512x128xf32, #tpu.memory_space<vmem_shared>>, %arg13: memref<2x!tpu.dma_semaphore, #tpu.memory_space<semaphore_mem>>, %arg14: memref<!tpu.dma_semaphore, #tpu.memory_space<semaphore_mem>>, %arg15: memref<!tpu.dma_semaphore, #tpu.memory_space<semaphore_mem>>) attributes {dimension_semantics = [#tpu.dimension_semantics<core_parallel>, #tpu.dimension_semantics<subcore_parallel>], iteration_bounds = array<i64: 2, 16>, scalar_prefetch = 0 : i64, scratch_operands = 10 : i64, tpu.core_type = #tpu.core_type<sc_vector_subcore>, window_params = [{transform_indices = #map}, {transform_indices = #map1}, {transform_indices = #map}, {transform_indices = #map}]} {
    %mul3A = arith.constant 2 : i32
    %mul3A_0 = arith.muli %arg1, %mul3A : i32
    %add3A = arith.addi %mul3A_0, %arg0 : i32
    %mul3A_1 = arith.constant 24 : i32
    %mul3A_2 = arith.muli %mul3A_1, %add3A : i32
    %min3A = arith.constant 13 : i32
    %min3A_3 = arith.minsi %add3A, %min3A : i32
    %add3A_4 = arith.addi %mul3A_2, %min3A_3 : i32
    %lt3A = arith.constant 13 : i32
    %lt3A_5 = arith.cmpi slt, %add3A, %lt3A : i32
    %jit3A = arith.constant 1 : i32
    %jit3A_6 = arith.constant 0 : i32
    %select_n3A = arith.select %lt3A_5, %jit3A, %jit3A_6 : i32
    %add3A_7 = arith.constant 24 : i32
    %add3A_8 = arith.addi %add3A_7, %select_n3A : i32
    %gt3A = arith.constant 0 : i32
    %gt3A_9 = arith.cmpi sgt, %add3A_8, %gt3A : i32
    %convert_element_type3A = arith.extui %gt3A_9 : i1 to i32
    %cond3A = arith.constant 0 : i32
    %cond3A_10 = arith.cmpi ne, %convert_element_type3A, %cond3A : i32
    scf.if %cond3A_10 {
      %add3A_329 = arith.constant 0 : i32
      %add3A_330 = arith.addi %add3A_4, %add3A_329 : i32
      %mul3A_331 = arith.constant 128 : i32
      %mul3A_332 = arith.muli %add3A_330, %mul3A_331 : i32
      %dma_start3A_333 = arith.constant 0 : i32
      %dma_start3A_334 = arith.constant 0 : i32
      %dma_start3A_335 = tpu.memref_slice %arg7[%dma_start3A_333, %dma_start3A_334] : memref<25x128xi32, #tpu.memory_space<vmem>> -> memref<1x128xi32, #tpu.memory_space<vmem>>
      %dma_start3A_336 = tpu.memref_squeeze %dma_start3A_335 : memref<1x128xi32, #tpu.memory_space<vmem>> -> memref<128xi32, #tpu.memory_space<vmem>>
      %dma_start3A_337 = tpu.memref_slice %arg3[%mul3A_332] : memref<100000xi32, #tpu.memory_space<hbm>> -> memref<128xi32, #tpu.memory_space<hbm>>
      %dma_start3A_338 = arith.constant 0 : i32
      %dma_start3A_339 = tpu.memref_slice %arg7[%dma_start3A_333, %dma_start3A_338] : memref<25x128xi32, #tpu.memory_space<vmem>> -> memref<1x128xi32, #tpu.memory_space<vmem>>
      %dma_start3A_340 = tpu.memref_squeeze %dma_start3A_339 : memref<1x128xi32, #tpu.memory_space<vmem>> -> memref<128xi32, #tpu.memory_space<vmem>>
      %dma_start3A_341 = tpu.memref_slice %arg3[%mul3A_332] : memref<100000xi32, #tpu.memory_space<hbm>> -> memref<128xi32, #tpu.memory_space<hbm>>
      tpu.enqueue_dma source(%dma_start3A_341 : memref<128xi32, #tpu.memory_space<hbm>>) target(%dma_start3A_340 : memref<128xi32, #tpu.memory_space<vmem>>) target_semaphore(%arg15 : memref<!tpu.dma_semaphore, #tpu.memory_space<semaphore_mem>>)
    } else {
    }
    %gt3A_11 = arith.constant 1 : i32
    %gt3A_12 = arith.cmpi sgt, %add3A_8, %gt3A_11 : i32
    %convert_element_type3A_13 = arith.extui %gt3A_12 : i1 to i32
    %cond3A_14 = arith.constant 0 : i32
    %cond3A_15 = arith.cmpi ne, %convert_element_type3A_13, %cond3A_14 : i32
    scf.if %cond3A_15 {
      %add3A_329 = arith.constant 1 : i32
      %add3A_330 = arith.addi %add3A_4, %add3A_329 : i32
      %mul3A_331 = arith.constant 128 : i32
      %mul3A_332 = arith.muli %add3A_330, %mul3A_331 : i32
      %dma_start3A_333 = arith.constant 1 : i32
      %dma_start3A_334 = arith.constant 0 : i32
      %dma_start3A_335 = tpu.memref_slice %arg7[%dma_start3A_333, %dma_start3A_334] : memref<25x128xi32, #tpu.memory_space<vmem>> -> memref<1x128xi32, #tpu.memory_space<vmem>>
      %dma_start3A_336 = tpu.memref_squeeze %dma_start3A_335 : memref<1x128xi32, #tpu.memory_space<vmem>> -> memref<128xi32, #tpu.memory_space<vmem>>
      %dma_start3A_337 = tpu.memref_slice %arg3[%mul3A_332] : memref<100000xi32, #tpu.memory_space<hbm>> -> memref<128xi32, #tpu.memory_space<hbm>>
      %dma_start3A_338 = arith.constant 0 : i32
      %dma_start3A_339 = tpu.memref_slice %arg7[%dma_start3A_333, %dma_start3A_338] : memref<25x128xi32, #tpu.memory_space<vmem>> -> memref<1x128xi32, #tpu.memory_space<vmem>>
      %dma_start3A_340 = tpu.memref_squeeze %dma_start3A_339 : memref<1x128xi32, #tpu.memory_space<vmem>> -> memref<128xi32, #tpu.memory_space<vmem>>
      %dma_start3A_341 = tpu.memref_slice %arg3[%mul3A_332] : memref<100000xi32, #tpu.memory_space<hbm>> -> memref<128xi32, #tpu.memory_space<hbm>>
      tpu.enqueue_dma source(%dma_start3A_341 : memref<128xi32, #tpu.memory_space<hbm>>) target(%dma_start3A_340 : memref<128xi32, #tpu.memory_space<vmem>>) target_semaphore(%arg15 : memref<!tpu.dma_semaphore, #tpu.memory_space<semaphore_mem>>)
    } else {
    }
    %gt3A_16 = arith.constant 2 : i32
    %gt3A_17 = arith.cmpi sgt, %add3A_8, %gt3A_16 : i32
    %convert_element_type3A_18 = arith.extui %gt3A_17 : i1 to i32
    %cond3A_19 = arith.constant 0 : i32
    %cond3A_20 = arith.cmpi ne, %convert_element_type3A_18, %cond3A_19 : i32
    scf.if %cond3A_20 {
      %add3A_329 = arith.constant 2 : i32
      %add3A_330 = arith.addi %add3A_4, %add3A_329 : i32
      %mul3A_331 = arith.constant 128 : i32
      %mul3A_332 = arith.muli %add3A_330, %mul3A_331 : i32
      %dma_start3A_333 = arith.constant 2 : i32
      %dma_start3A_334 = arith.constant 0 : i32
      %dma_start3A_335 = tpu.memref_slice %arg7[%dma_start3A_333, %dma_start3A_334] : memref<25x128xi32, #tpu.memory_space<vmem>> -> memref<1x128xi32, #tpu.memory_space<vmem>>
      %dma_start3A_336 = tpu.memref_squeeze %dma_start3A_335 : memref<1x128xi32, #tpu.memory_space<vmem>> -> memref<128xi32, #tpu.memory_space<vmem>>
      %dma_start3A_337 = tpu.memref_slice %arg3[%mul3A_332] : memref<100000xi32, #tpu.memory_space<hbm>> -> memref<128xi32, #tpu.memory_space<hbm>>
      %dma_start3A_338 = arith.constant 0 : i32
      %dma_start3A_339 = tpu.memref_slice %arg7[%dma_start3A_333, %dma_start3A_338] : memref<25x128xi32, #tpu.memory_space<vmem>> -> memref<1x128xi32, #tpu.memory_space<vmem>>
      %dma_start3A_340 = tpu.memref_squeeze %dma_start3A_339 : memref<1x128xi32, #tpu.memory_space<vmem>> -> memref<128xi32, #tpu.memory_space<vmem>>
      %dma_start3A_341 = tpu.memref_slice %arg3[%mul3A_332] : memref<100000xi32, #tpu.memory_space<hbm>> -> memref<128xi32, #tpu.memory_space<hbm>>
      tpu.enqueue_dma source(%dma_start3A_341 : memref<128xi32, #tpu.memory_space<hbm>>) target(%dma_start3A_340 : memref<128xi32, #tpu.memory_space<vmem>>) target_semaphore(%arg15 : memref<!tpu.dma_semaphore, #tpu.memory_space<semaphore_mem>>)
    } else {
    }
    %gt3A_21 = arith.constant 3 : i32
    %gt3A_22 = arith.cmpi sgt, %add3A_8, %gt3A_21 : i32
    %convert_element_type3A_23 = arith.extui %gt3A_22 : i1 to i32
    %cond3A_24 = arith.constant 0 : i32
    %cond3A_25 = arith.cmpi ne, %convert_element_type3A_23, %cond3A_24 : i32
    scf.if %cond3A_25 {
      %add3A_329 = arith.constant 3 : i32
      %add3A_330 = arith.addi %add3A_4, %add3A_329 : i32
      %mul3A_331 = arith.constant 128 : i32
      %mul3A_332 = arith.muli %add3A_330, %mul3A_331 : i32
      %dma_start3A_333 = arith.constant 3 : i32
      %dma_start3A_334 = arith.constant 0 : i32
      %dma_start3A_335 = tpu.memref_slice %arg7[%dma_start3A_333, %dma_start3A_334] : memref<25x128xi32, #tpu.memory_space<vmem>> -> memref<1x128xi32, #tpu.memory_space<vmem>>
      %dma_start3A_336 = tpu.memref_squeeze %dma_start3A_335 : memref<1x128xi32, #tpu.memory_space<vmem>> -> memref<128xi32, #tpu.memory_space<vmem>>
      %dma_start3A_337 = tpu.memref_slice %arg3[%mul3A_332] : memref<100000xi32, #tpu.memory_space<hbm>> -> memref<128xi32, #tpu.memory_space<hbm>>
      %dma_start3A_338 = arith.constant 0 : i32
      %dma_start3A_339 = tpu.memref_slice %arg7[%dma_start3A_333, %dma_start3A_338] : memref<25x128xi32, #tpu.memory_space<vmem>> -> memref<1x128xi32, #tpu.memory_space<vmem>>
      %dma_start3A_340 = tpu.memref_squeeze %dma_start3A_339 : memref<1x128xi32, #tpu.memory_space<vmem>> -> memref<128xi32, #tpu.memory_space<vmem>>
      %dma_start3A_341 = tpu.memref_slice %arg3[%mul3A_332] : memref<100000xi32, #tpu.memory_space<hbm>> -> memref<128xi32, #tpu.memory_space<hbm>>
      tpu.enqueue_dma source(%dma_start3A_341 : memref<128xi32, #tpu.memory_space<hbm>>) target(%dma_start3A_340 : memref<128xi32, #tpu.memory_space<vmem>>) target_semaphore(%arg15 : memref<!tpu.dma_semaphore, #tpu.memory_space<semaphore_mem>>)
    } else {
    }
    %gt3A_26 = arith.constant 4 : i32
    %gt3A_27 = arith.cmpi sgt, %add3A_8, %gt3A_26 : i32
    %convert_element_type3A_28 = arith.extui %gt3A_27 : i1 to i32
    %cond3A_29 = arith.constant 0 : i32
    %cond3A_30 = arith.cmpi ne, %convert_element_type3A_28, %cond3A_29 : i32
    scf.if %cond3A_30 {
      %add3A_329 = arith.constant 4 : i32
      %add3A_330 = arith.addi %add3A_4, %add3A_329 : i32
      %mul3A_331 = arith.constant 128 : i32
      %mul3A_332 = arith.muli %add3A_330, %mul3A_331 : i32
      %dma_start3A_333 = arith.constant 4 : i32
      %dma_start3A_334 = arith.constant 0 : i32
      %dma_start3A_335 = tpu.memref_slice %arg7[%dma_start3A_333, %dma_start3A_334] : memref<25x128xi32, #tpu.memory_space<vmem>> -> memref<1x128xi32, #tpu.memory_space<vmem>>
      %dma_start3A_336 = tpu.memref_squeeze %dma_start3A_335 : memref<1x128xi32, #tpu.memory_space<vmem>> -> memref<128xi32, #tpu.memory_space<vmem>>
      %dma_start3A_337 = tpu.memref_slice %arg3[%mul3A_332] : memref<100000xi32, #tpu.memory_space<hbm>> -> memref<128xi32, #tpu.memory_space<hbm>>
      %dma_start3A_338 = arith.constant 0 : i32
      %dma_start3A_339 = tpu.memref_slice %arg7[%dma_start3A_333, %dma_start3A_338] : memref<25x128xi32, #tpu.memory_space<vmem>> -> memref<1x128xi32, #tpu.memory_space<vmem>>
      %dma_start3A_340 = tpu.memref_squeeze %dma_start3A_339 : memref<1x128xi32, #tpu.memory_space<vmem>> -> memref<128xi32, #tpu.memory_space<vmem>>
      %dma_start3A_341 = tpu.memref_slice %arg3[%mul3A_332] : memref<100000xi32, #tpu.memory_space<hbm>> -> memref<128xi32, #tpu.memory_space<hbm>>
      tpu.enqueue_dma source(%dma_start3A_341 : memref<128xi32, #tpu.memory_space<hbm>>) target(%dma_start3A_340 : memref<128xi32, #tpu.memory_space<vmem>>) target_semaphore(%arg15 : memref<!tpu.dma_semaphore, #tpu.memory_space<semaphore_mem>>)
    } else {
    }
    %gt3A_31 = arith.constant 5 : i32
    %gt3A_32 = arith.cmpi sgt, %add3A_8, %gt3A_31 : i32
    %convert_element_type3A_33 = arith.extui %gt3A_32 : i1 to i32
    %cond3A_34 = arith.constant 0 : i32
    %cond3A_35 = arith.cmpi ne, %convert_element_type3A_33, %cond3A_34 : i32
    scf.if %cond3A_35 {
      %add3A_329 = arith.constant 5 : i32
      %add3A_330 = arith.addi %add3A_4, %add3A_329 : i32
      %mul3A_331 = arith.constant 128 : i32
      %mul3A_332 = arith.muli %add3A_330, %mul3A_331 : i32
      %dma_start3A_333 = arith.constant 5 : i32
      %dma_start3A_334 = arith.constant 0 : i32
      %dma_start3A_335 = tpu.memref_slice %arg7[%dma_start3A_333, %dma_start3A_334] : memref<25x128xi32, #tpu.memory_space<vmem>> -> memref<1x128xi32, #tpu.memory_space<vmem>>
      %dma_start3A_336 = tpu.memref_squeeze %dma_start3A_335 : memref<1x128xi32, #tpu.memory_space<vmem>> -> memref<128xi32, #tpu.memory_space<vmem>>
      %dma_start3A_337 = tpu.memref_slice %arg3[%mul3A_332] : memref<100000xi32, #tpu.memory_space<hbm>> -> memref<128xi32, #tpu.memory_space<hbm>>
      %dma_start3A_338 = arith.constant 0 : i32
      %dma_start3A_339 = tpu.memref_slice %arg7[%dma_start3A_333, %dma_start3A_338] : memref<25x128xi32, #tpu.memory_space<vmem>> -> memref<1x128xi32, #tpu.memory_space<vmem>>
      %dma_start3A_340 = tpu.memref_squeeze %dma_start3A_339 : memref<1x128xi32, #tpu.memory_space<vmem>> -> memref<128xi32, #tpu.memory_space<vmem>>
      %dma_start3A_341 = tpu.memref_slice %arg3[%mul3A_332] : memref<100000xi32, #tpu.memory_space<hbm>> -> memref<128xi32, #tpu.memory_space<hbm>>
      tpu.enqueue_dma source(%dma_start3A_341 : memref<128xi32, #tpu.memory_space<hbm>>) target(%dma_start3A_340 : memref<128xi32, #tpu.memory_space<vmem>>) target_semaphore(%arg15 : memref<!tpu.dma_semaphore, #tpu.memory_space<semaphore_mem>>)
    } else {
    }
    %gt3A_36 = arith.constant 6 : i32
    %gt3A_37 = arith.cmpi sgt, %add3A_8, %gt3A_36 : i32
    %convert_element_type3A_38 = arith.extui %gt3A_37 : i1 to i32
    %cond3A_39 = arith.constant 0 : i32
    %cond3A_40 = arith.cmpi ne, %convert_element_type3A_38, %cond3A_39 : i32
    scf.if %cond3A_40 {
      %add3A_329 = arith.constant 6 : i32
      %add3A_330 = arith.addi %add3A_4, %add3A_329 : i32
      %mul3A_331 = arith.constant 128 : i32
      %mul3A_332 = arith.muli %add3A_330, %mul3A_331 : i32
      %dma_start3A_333 = arith.constant 6 : i32
      %dma_start3A_334 = arith.constant 0 : i32
      %dma_start3A_335 = tpu.memref_slice %arg7[%dma_start3A_333, %dma_start3A_334] : memref<25x128xi32, #tpu.memory_space<vmem>> -> memref<1x128xi32, #tpu.memory_space<vmem>>
      %dma_start3A_336 = tpu.memref_squeeze %dma_start3A_335 : memref<1x128xi32, #tpu.memory_space<vmem>> -> memref<128xi32, #tpu.memory_space<vmem>>
      %dma_start3A_337 = tpu.memref_slice %arg3[%mul3A_332] : memref<100000xi32, #tpu.memory_space<hbm>> -> memref<128xi32, #tpu.memory_space<hbm>>
      %dma_start3A_338 = arith.constant 0 : i32
      %dma_start3A_339 = tpu.memref_slice %arg7[%dma_start3A_333, %dma_start3A_338] : memref<25x128xi32, #tpu.memory_space<vmem>> -> memref<1x128xi32, #tpu.memory_space<vmem>>
      %dma_start3A_340 = tpu.memref_squeeze %dma_start3A_339 : memref<1x128xi32, #tpu.memory_space<vmem>> -> memref<128xi32, #tpu.memory_space<vmem>>
      %dma_start3A_341 = tpu.memref_slice %arg3[%mul3A_332] : memref<100000xi32, #tpu.memory_space<hbm>> -> memref<128xi32, #tpu.memory_space<hbm>>
      tpu.enqueue_dma source(%dma_start3A_341 : memref<128xi32, #tpu.memory_space<hbm>>) target(%dma_start3A_340 : memref<128xi32, #tpu.memory_space<vmem>>) target_semaphore(%arg15 : memref<!tpu.dma_semaphore, #tpu.memory_space<semaphore_mem>>)
    } else {
    }
    %gt3A_41 = arith.constant 7 : i32
    %gt3A_42 = arith.cmpi sgt, %add3A_8, %gt3A_41 : i32
    %convert_element_type3A_43 = arith.extui %gt3A_42 : i1 to i32
    %cond3A_44 = arith.constant 0 : i32
    %cond3A_45 = arith.cmpi ne, %convert_element_type3A_43, %cond3A_44 : i32
    scf.if %cond3A_45 {
      %add3A_329 = arith.constant 7 : i32
      %add3A_330 = arith.addi %add3A_4, %add3A_329 : i32
      %mul3A_331 = arith.constant 128 : i32
      %mul3A_332 = arith.muli %add3A_330, %mul3A_331 : i32
      %dma_start3A_333 = arith.constant 7 : i32
      %dma_start3A_334 = arith.constant 0 : i32
      %dma_start3A_335 = tpu.memref_slice %arg7[%dma_start3A_333, %dma_start3A_334] : memref<25x128xi32, #tpu.memory_space<vmem>> -> memref<1x128xi32, #tpu.memory_space<vmem>>
      %dma_start3A_336 = tpu.memref_squeeze %dma_start3A_335 : memref<1x128xi32, #tpu.memory_space<vmem>> -> memref<128xi32, #tpu.memory_space<vmem>>
      %dma_start3A_337 = tpu.memref_slice %arg3[%mul3A_332] : memref<100000xi32, #tpu.memory_space<hbm>> -> memref<128xi32, #tpu.memory_space<hbm>>
      %dma_start3A_338 = arith.constant 0 : i32
      %dma_start3A_339 = tpu.memref_slice %arg7[%dma_start3A_333, %dma_start3A_338] : memref<25x128xi32, #tpu.memory_space<vmem>> -> memref<1x128xi32, #tpu.memory_space<vmem>>
      %dma_start3A_340 = tpu.memref_squeeze %dma_start3A_339 : memref<1x128xi32, #tpu.memory_space<vmem>> -> memref<128xi32, #tpu.memory_space<vmem>>
      %dma_start3A_341 = tpu.memref_slice %arg3[%mul3A_332] : memref<100000xi32, #tpu.memory_space<hbm>> -> memref<128xi32, #tpu.memory_space<hbm>>
      tpu.enqueue_dma source(%dma_start3A_341 : memref<128xi32, #tpu.memory_space<hbm>>) target(%dma_start3A_340 : memref<128xi32, #tpu.memory_space<vmem>>) target_semaphore(%arg15 : memref<!tpu.dma_semaphore, #tpu.memory_space<semaphore_mem>>)
    } else {
    }
    %gt3A_46 = arith.constant 8 : i32
    %gt3A_47 = arith.cmpi sgt, %add3A_8, %gt3A_46 : i32
    %convert_element_type3A_48 = arith.extui %gt3A_47 : i1 to i32
    %cond3A_49 = arith.constant 0 : i32
    %cond3A_50 = arith.cmpi ne, %convert_element_type3A_48, %cond3A_49 : i32
    scf.if %cond3A_50 {
      %add3A_329 = arith.constant 8 : i32
      %add3A_330 = arith.addi %add3A_4, %add3A_329 : i32
      %mul3A_331 = arith.constant 128 : i32
      %mul3A_332 = arith.muli %add3A_330, %mul3A_331 : i32
      %dma_start3A_333 = arith.constant 8 : i32
      %dma_start3A_334 = arith.constant 0 : i32
      %dma_start3A_335 = tpu.memref_slice %arg7[%dma_start3A_333, %dma_start3A_334] : memref<25x128xi32, #tpu.memory_space<vmem>> -> memref<1x128xi32, #tpu.memory_space<vmem>>
      %dma_start3A_336 = tpu.memref_squeeze %dma_start3A_335 : memref<1x128xi32, #tpu.memory_space<vmem>> -> memref<128xi32, #tpu.memory_space<vmem>>
      %dma_start3A_337 = tpu.memref_slice %arg3[%mul3A_332] : memref<100000xi32, #tpu.memory_space<hbm>> -> memref<128xi32, #tpu.memory_space<hbm>>
      %dma_start3A_338 = arith.constant 0 : i32
      %dma_start3A_339 = tpu.memref_slice %arg7[%dma_start3A_333, %dma_start3A_338] : memref<25x128xi32, #tpu.memory_space<vmem>> -> memref<1x128xi32, #tpu.memory_space<vmem>>
      %dma_start3A_340 = tpu.memref_squeeze %dma_start3A_339 : memref<1x128xi32, #tpu.memory_space<vmem>> -> memref<128xi32, #tpu.memory_space<vmem>>
      %dma_start3A_341 = tpu.memref_slice %arg3[%mul3A_332] : memref<100000xi32, #tpu.memory_space<hbm>> -> memref<128xi32, #tpu.memory_space<hbm>>
      tpu.enqueue_dma source(%dma_start3A_341 : memref<128xi32, #tpu.memory_space<hbm>>) target(%dma_start3A_340 : memref<128xi32, #tpu.memory_space<vmem>>) target_semaphore(%arg15 : memref<!tpu.dma_semaphore, #tpu.memory_space<semaphore_mem>>)
    } else {
    }
    %gt3A_51 = arith.constant 9 : i32
    %gt3A_52 = arith.cmpi sgt, %add3A_8, %gt3A_51 : i32
    %convert_element_type3A_53 = arith.extui %gt3A_52 : i1 to i32
    %cond3A_54 = arith.constant 0 : i32
    %cond3A_55 = arith.cmpi ne, %convert_element_type3A_53, %cond3A_54 : i32
    scf.if %cond3A_55 {
      %add3A_329 = arith.constant 9 : i32
      %add3A_330 = arith.addi %add3A_4, %add3A_329 : i32
      %mul3A_331 = arith.constant 128 : i32
      %mul3A_332 = arith.muli %add3A_330, %mul3A_331 : i32
      %dma_start3A_333 = arith.constant 9 : i32
      %dma_start3A_334 = arith.constant 0 : i32
      %dma_start3A_335 = tpu.memref_slice %arg7[%dma_start3A_333, %dma_start3A_334] : memref<25x128xi32, #tpu.memory_space<vmem>> -> memref<1x128xi32, #tpu.memory_space<vmem>>
      %dma_start3A_336 = tpu.memref_squeeze %dma_start3A_335 : memref<1x128xi32, #tpu.memory_space<vmem>> -> memref<128xi32, #tpu.memory_space<vmem>>
      %dma_start3A_337 = tpu.memref_slice %arg3[%mul3A_332] : memref<100000xi32, #tpu.memory_space<hbm>> -> memref<128xi32, #tpu.memory_space<hbm>>
      %dma_start3A_338 = arith.constant 0 : i32
      %dma_start3A_339 = tpu.memref_slice %arg7[%dma_start3A_333, %dma_start3A_338] : memref<25x128xi32, #tpu.memory_space<vmem>> -> memref<1x128xi32, #tpu.memory_space<vmem>>
      %dma_start3A_340 = tpu.memref_squeeze %dma_start3A_339 : memref<1x128xi32, #tpu.memory_space<vmem>> -> memref<128xi32, #tpu.memory_space<vmem>>
      %dma_start3A_341 = tpu.memref_slice %arg3[%mul3A_332] : memref<100000xi32, #tpu.memory_space<hbm>> -> memref<128xi32, #tpu.memory_space<hbm>>
      tpu.enqueue_dma source(%dma_start3A_341 : memref<128xi32, #tpu.memory_space<hbm>>) target(%dma_start3A_340 : memref<128xi32, #tpu.memory_space<vmem>>) target_semaphore(%arg15 : memref<!tpu.dma_semaphore, #tpu.memory_space<semaphore_mem>>)
    } else {
    }
    %gt3A_56 = arith.constant 10 : i32
    %gt3A_57 = arith.cmpi sgt, %add3A_8, %gt3A_56 : i32
    %convert_element_type3A_58 = arith.extui %gt3A_57 : i1 to i32
    %cond3A_59 = arith.constant 0 : i32
    %cond3A_60 = arith.cmpi ne, %convert_element_type3A_58, %cond3A_59 : i32
    scf.if %cond3A_60 {
      %add3A_329 = arith.constant 10 : i32
      %add3A_330 = arith.addi %add3A_4, %add3A_329 : i32
      %mul3A_331 = arith.constant 128 : i32
      %mul3A_332 = arith.muli %add3A_330, %mul3A_331 : i32
      %dma_start3A_333 = arith.constant 10 : i32
      %dma_start3A_334 = arith.constant 0 : i32
      %dma_start3A_335 = tpu.memref_slice %arg7[%dma_start3A_333, %dma_start3A_334] : memref<25x128xi32, #tpu.memory_space<vmem>> -> memref<1x128xi32, #tpu.memory_space<vmem>>
      %dma_start3A_336 = tpu.memref_squeeze %dma_start3A_335 : memref<1x128xi32, #tpu.memory_space<vmem>> -> memref<128xi32, #tpu.memory_space<vmem>>
      %dma_start3A_337 = tpu.memref_slice %arg3[%mul3A_332] : memref<100000xi32, #tpu.memory_space<hbm>> -> memref<128xi32, #tpu.memory_space<hbm>>
      %dma_start3A_338 = arith.constant 0 : i32
      %dma_start3A_339 = tpu.memref_slice %arg7[%dma_start3A_333, %dma_start3A_338] : memref<25x128xi32, #tpu.memory_space<vmem>> -> memref<1x128xi32, #tpu.memory_space<vmem>>
      %dma_start3A_340 = tpu.memref_squeeze %dma_start3A_339 : memref<1x128xi32, #tpu.memory_space<vmem>> -> memref<128xi32, #tpu.memory_space<vmem>>
      %dma_start3A_341 = tpu.memref_slice %arg3[%mul3A_332] : memref<100000xi32, #tpu.memory_space<hbm>> -> memref<128xi32, #tpu.memory_space<hbm>>
      tpu.enqueue_dma source(%dma_start3A_341 : memref<128xi32, #tpu.memory_space<hbm>>) target(%dma_start3A_340 : memref<128xi32, #tpu.memory_space<vmem>>) target_semaphore(%arg15 : memref<!tpu.dma_semaphore, #tpu.memory_space<semaphore_mem>>)
    } else {
    }
    %gt3A_61 = arith.constant 11 : i32
    %gt3A_62 = arith.cmpi sgt, %add3A_8, %gt3A_61 : i32
    %convert_element_type3A_63 = arith.extui %gt3A_62 : i1 to i32
    %cond3A_64 = arith.constant 0 : i32
    %cond3A_65 = arith.cmpi ne, %convert_element_type3A_63, %cond3A_64 : i32
    scf.if %cond3A_65 {
      %add3A_329 = arith.constant 11 : i32
      %add3A_330 = arith.addi %add3A_4, %add3A_329 : i32
      %mul3A_331 = arith.constant 128 : i32
      %mul3A_332 = arith.muli %add3A_330, %mul3A_331 : i32
      %dma_start3A_333 = arith.constant 11 : i32
      %dma_start3A_334 = arith.constant 0 : i32
      %dma_start3A_335 = tpu.memref_slice %arg7[%dma_start3A_333, %dma_start3A_334] : memref<25x128xi32, #tpu.memory_space<vmem>> -> memref<1x128xi32, #tpu.memory_space<vmem>>
      %dma_start3A_336 = tpu.memref_squeeze %dma_start3A_335 : memref<1x128xi32, #tpu.memory_space<vmem>> -> memref<128xi32, #tpu.memory_space<vmem>>
      %dma_start3A_337 = tpu.memref_slice %arg3[%mul3A_332] : memref<100000xi32, #tpu.memory_space<hbm>> -> memref<128xi32, #tpu.memory_space<hbm>>
      %dma_start3A_338 = arith.constant 0 : i32
      %dma_start3A_339 = tpu.memref_slice %arg7[%dma_start3A_333, %dma_start3A_338] : memref<25x128xi32, #tpu.memory_space<vmem>> -> memref<1x128xi32, #tpu.memory_space<vmem>>
      %dma_start3A_340 = tpu.memref_squeeze %dma_start3A_339 : memref<1x128xi32, #tpu.memory_space<vmem>> -> memref<128xi32, #tpu.memory_space<vmem>>
      %dma_start3A_341 = tpu.memref_slice %arg3[%mul3A_332] : memref<100000xi32, #tpu.memory_space<hbm>> -> memref<128xi32, #tpu.memory_space<hbm>>
      tpu.enqueue_dma source(%dma_start3A_341 : memref<128xi32, #tpu.memory_space<hbm>>) target(%dma_start3A_340 : memref<128xi32, #tpu.memory_space<vmem>>) target_semaphore(%arg15 : memref<!tpu.dma_semaphore, #tpu.memory_space<semaphore_mem>>)
    } else {
    }
    %gt3A_66 = arith.constant 12 : i32
    %gt3A_67 = arith.cmpi sgt, %add3A_8, %gt3A_66 : i32
    %convert_element_type3A_68 = arith.extui %gt3A_67 : i1 to i32
    %cond3A_69 = arith.constant 0 : i32
    %cond3A_70 = arith.cmpi ne, %convert_element_type3A_68, %cond3A_69 : i32
    scf.if %cond3A_70 {
      %add3A_329 = arith.constant 12 : i32
      %add3A_330 = arith.addi %add3A_4, %add3A_329 : i32
      %mul3A_331 = arith.constant 128 : i32
      %mul3A_332 = arith.muli %add3A_330, %mul3A_331 : i32
      %dma_start3A_333 = arith.constant 12 : i32
      %dma_start3A_334 = arith.constant 0 : i32
      %dma_start3A_335 = tpu.memref_slice %arg7[%dma_start3A_333, %dma_start3A_334] : memref<25x128xi32, #tpu.memory_space<vmem>> -> memref<1x128xi32, #tpu.memory_space<vmem>>
      %dma_start3A_336 = tpu.memref_squeeze %dma_start3A_335 : memref<1x128xi32, #tpu.memory_space<vmem>> -> memref<128xi32, #tpu.memory_space<vmem>>
      %dma_start3A_337 = tpu.memref_slice %arg3[%mul3A_332] : memref<100000xi32, #tpu.memory_space<hbm>> -> memref<128xi32, #tpu.memory_space<hbm>>
      %dma_start3A_338 = arith.constant 0 : i32
      %dma_start3A_339 = tpu.memref_slice %arg7[%dma_start3A_333, %dma_start3A_338] : memref<25x128xi32, #tpu.memory_space<vmem>> -> memref<1x128xi32, #tpu.memory_space<vmem>>
      %dma_start3A_340 = tpu.memref_squeeze %dma_start3A_339 : memref<1x128xi32, #tpu.memory_space<vmem>> -> memref<128xi32, #tpu.memory_space<vmem>>
      %dma_start3A_341 = tpu.memref_slice %arg3[%mul3A_332] : memref<100000xi32, #tpu.memory_space<hbm>> -> memref<128xi32, #tpu.memory_space<hbm>>
      tpu.enqueue_dma source(%dma_start3A_341 : memref<128xi32, #tpu.memory_space<hbm>>) target(%dma_start3A_340 : memref<128xi32, #tpu.memory_space<vmem>>) target_semaphore(%arg15 : memref<!tpu.dma_semaphore, #tpu.memory_space<semaphore_mem>>)
    } else {
    }
    %gt3A_71 = arith.constant 13 : i32
    %gt3A_72 = arith.cmpi sgt, %add3A_8, %gt3A_71 : i32
    %convert_element_type3A_73 = arith.extui %gt3A_72 : i1 to i32
    %cond3A_74 = arith.constant 0 : i32
    %cond3A_75 = arith.cmpi ne, %convert_element_type3A_73, %cond3A_74 : i32
    scf.if %cond3A_75 {
      %add3A_329 = arith.constant 13 : i32
      %add3A_330 = arith.addi %add3A_4, %add3A_329 : i32
      %mul3A_331 = arith.constant 128 : i32
      %mul3A_332 = arith.muli %add3A_330, %mul3A_331 : i32
      %dma_start3A_333 = arith.constant 13 : i32
      %dma_start3A_334 = arith.constant 0 : i32
      %dma_start3A_335 = tpu.memref_slice %arg7[%dma_start3A_333, %dma_start3A_334] : memref<25x128xi32, #tpu.memory_space<vmem>> -> memref<1x128xi32, #tpu.memory_space<vmem>>
      %dma_start3A_336 = tpu.memref_squeeze %dma_start3A_335 : memref<1x128xi32, #tpu.memory_space<vmem>> -> memref<128xi32, #tpu.memory_space<vmem>>
      %dma_start3A_337 = tpu.memref_slice %arg3[%mul3A_332] : memref<100000xi32, #tpu.memory_space<hbm>> -> memref<128xi32, #tpu.memory_space<hbm>>
      %dma_start3A_338 = arith.constant 0 : i32
      %dma_start3A_339 = tpu.memref_slice %arg7[%dma_start3A_333, %dma_start3A_338] : memref<25x128xi32, #tpu.memory_space<vmem>> -> memref<1x128xi32, #tpu.memory_space<vmem>>
      %dma_start3A_340 = tpu.memref_squeeze %dma_start3A_339 : memref<1x128xi32, #tpu.memory_space<vmem>> -> memref<128xi32, #tpu.memory_space<vmem>>
      %dma_start3A_341 = tpu.memref_slice %arg3[%mul3A_332] : memref<100000xi32, #tpu.memory_space<hbm>> -> memref<128xi32, #tpu.memory_space<hbm>>
      tpu.enqueue_dma source(%dma_start3A_341 : memref<128xi32, #tpu.memory_space<hbm>>) target(%dma_start3A_340 : memref<128xi32, #tpu.memory_space<vmem>>) target_semaphore(%arg15 : memref<!tpu.dma_semaphore, #tpu.memory_space<semaphore_mem>>)
    } else {
    }
    %gt3A_76 = arith.constant 14 : i32
    %gt3A_77 = arith.cmpi sgt, %add3A_8, %gt3A_76 : i32
    %convert_element_type3A_78 = arith.extui %gt3A_77 : i1 to i32
    %cond3A_79 = arith.constant 0 : i32
    %cond3A_80 = arith.cmpi ne, %convert_element_type3A_78, %cond3A_79 : i32
    scf.if %cond3A_80 {
      %add3A_329 = arith.constant 14 : i32
      %add3A_330 = arith.addi %add3A_4, %add3A_329 : i32
      %mul3A_331 = arith.constant 128 : i32
      %mul3A_332 = arith.muli %add3A_330, %mul3A_331 : i32
      %dma_start3A_333 = arith.constant 14 : i32
      %dma_start3A_334 = arith.constant 0 : i32
      %dma_start3A_335 = tpu.memref_slice %arg7[%dma_start3A_333, %dma_start3A_334] : memref<25x128xi32, #tpu.memory_space<vmem>> -> memref<1x128xi32, #tpu.memory_space<vmem>>
      %dma_start3A_336 = tpu.memref_squeeze %dma_start3A_335 : memref<1x128xi32, #tpu.memory_space<vmem>> -> memref<128xi32, #tpu.memory_space<vmem>>
      %dma_start3A_337 = tpu.memref_slice %arg3[%mul3A_332] : memref<100000xi32, #tpu.memory_space<hbm>> -> memref<128xi32, #tpu.memory_space<hbm>>
      %dma_start3A_338 = arith.constant 0 : i32
      %dma_start3A_339 = tpu.memref_slice %arg7[%dma_start3A_333, %dma_start3A_338] : memref<25x128xi32, #tpu.memory_space<vmem>> -> memref<1x128xi32, #tpu.memory_space<vmem>>
      %dma_start3A_340 = tpu.memref_squeeze %dma_start3A_339 : memref<1x128xi32, #tpu.memory_space<vmem>> -> memref<128xi32, #tpu.memory_space<vmem>>
      %dma_start3A_341 = tpu.memref_slice %arg3[%mul3A_332] : memref<100000xi32, #tpu.memory_space<hbm>> -> memref<128xi32, #tpu.memory_space<hbm>>
      tpu.enqueue_dma source(%dma_start3A_341 : memref<128xi32, #tpu.memory_space<hbm>>) target(%dma_start3A_340 : memref<128xi32, #tpu.memory_space<vmem>>) target_semaphore(%arg15 : memref<!tpu.dma_semaphore, #tpu.memory_space<semaphore_mem>>)
    } else {
    }
    %gt3A_81 = arith.constant 15 : i32
    %gt3A_82 = arith.cmpi sgt, %add3A_8, %gt3A_81 : i32
    %convert_element_type3A_83 = arith.extui %gt3A_82 : i1 to i32
    %cond3A_84 = arith.constant 0 : i32
    %cond3A_85 = arith.cmpi ne, %convert_element_type3A_83, %cond3A_84 : i32
    scf.if %cond3A_85 {
      %add3A_329 = arith.constant 15 : i32
      %add3A_330 = arith.addi %add3A_4, %add3A_329 : i32
      %mul3A_331 = arith.constant 128 : i32
      %mul3A_332 = arith.muli %add3A_330, %mul3A_331 : i32
      %dma_start3A_333 = arith.constant 15 : i32
      %dma_start3A_334 = arith.constant 0 : i32
      %dma_start3A_335 = tpu.memref_slice %arg7[%dma_start3A_333, %dma_start3A_334] : memref<25x128xi32, #tpu.memory_space<vmem>> -> memref<1x128xi32, #tpu.memory_space<vmem>>
      %dma_start3A_336 = tpu.memref_squeeze %dma_start3A_335 : memref<1x128xi32, #tpu.memory_space<vmem>> -> memref<128xi32, #tpu.memory_space<vmem>>
      %dma_start3A_337 = tpu.memref_slice %arg3[%mul3A_332] : memref<100000xi32, #tpu.memory_space<hbm>> -> memref<128xi32, #tpu.memory_space<hbm>>
      %dma_start3A_338 = arith.constant 0 : i32
      %dma_start3A_339 = tpu.memref_slice %arg7[%dma_start3A_333, %dma_start3A_338] : memref<25x128xi32, #tpu.memory_space<vmem>> -> memref<1x128xi32, #tpu.memory_space<vmem>>
      %dma_start3A_340 = tpu.memref_squeeze %dma_start3A_339 : memref<1x128xi32, #tpu.memory_space<vmem>> -> memref<128xi32, #tpu.memory_space<vmem>>
      %dma_start3A_341 = tpu.memref_slice %arg3[%mul3A_332] : memref<100000xi32, #tpu.memory_space<hbm>> -> memref<128xi32, #tpu.memory_space<hbm>>
      tpu.enqueue_dma source(%dma_start3A_341 : memref<128xi32, #tpu.memory_space<hbm>>) target(%dma_start3A_340 : memref<128xi32, #tpu.memory_space<vmem>>) target_semaphore(%arg15 : memref<!tpu.dma_semaphore, #tpu.memory_space<semaphore_mem>>)
    } else {
    }
    %gt3A_86 = arith.constant 16 : i32
    %gt3A_87 = arith.cmpi sgt, %add3A_8, %gt3A_86 : i32
    %convert_element_type3A_88 = arith.extui %gt3A_87 : i1 to i32
    %cond3A_89 = arith.constant 0 : i32
    %cond3A_90 = arith.cmpi ne, %convert_element_type3A_88, %cond3A_89 : i32
    scf.if %cond3A_90 {
      %add3A_329 = arith.constant 16 : i32
      %add3A_330 = arith.addi %add3A_4, %add3A_329 : i32
      %mul3A_331 = arith.constant 128 : i32
      %mul3A_332 = arith.muli %add3A_330, %mul3A_331 : i32
      %dma_start3A_333 = arith.constant 16 : i32
      %dma_start3A_334 = arith.constant 0 : i32
      %dma_start3A_335 = tpu.memref_slice %arg7[%dma_start3A_333, %dma_start3A_334] : memref<25x128xi32, #tpu.memory_space<vmem>> -> memref<1x128xi32, #tpu.memory_space<vmem>>
      %dma_start3A_336 = tpu.memref_squeeze %dma_start3A_335 : memref<1x128xi32, #tpu.memory_space<vmem>> -> memref<128xi32, #tpu.memory_space<vmem>>
      %dma_start3A_337 = tpu.memref_slice %arg3[%mul3A_332] : memref<100000xi32, #tpu.memory_space<hbm>> -> memref<128xi32, #tpu.memory_space<hbm>>
      %dma_start3A_338 = arith.constant 0 : i32
      %dma_start3A_339 = tpu.memref_slice %arg7[%dma_start3A_333, %dma_start3A_338] : memref<25x128xi32, #tpu.memory_space<vmem>> -> memref<1x128xi32, #tpu.memory_space<vmem>>
      %dma_start3A_340 = tpu.memref_squeeze %dma_start3A_339 : memref<1x128xi32, #tpu.memory_space<vmem>> -> memref<128xi32, #tpu.memory_space<vmem>>
      %dma_start3A_341 = tpu.memref_slice %arg3[%mul3A_332] : memref<100000xi32, #tpu.memory_space<hbm>> -> memref<128xi32, #tpu.memory_space<hbm>>
      tpu.enqueue_dma source(%dma_start3A_341 : memref<128xi32, #tpu.memory_space<hbm>>) target(%dma_start3A_340 : memref<128xi32, #tpu.memory_space<vmem>>) target_semaphore(%arg15 : memref<!tpu.dma_semaphore, #tpu.memory_space<semaphore_mem>>)
    } else {
    }
    %gt3A_91 = arith.constant 17 : i32
    %gt3A_92 = arith.cmpi sgt, %add3A_8, %gt3A_91 : i32
    %convert_element_type3A_93 = arith.extui %gt3A_92 : i1 to i32
    %cond3A_94 = arith.constant 0 : i32
    %cond3A_95 = arith.cmpi ne, %convert_element_type3A_93, %cond3A_94 : i32
    scf.if %cond3A_95 {
      %add3A_329 = arith.constant 17 : i32
      %add3A_330 = arith.addi %add3A_4, %add3A_329 : i32
      %mul3A_331 = arith.constant 128 : i32
      %mul3A_332 = arith.muli %add3A_330, %mul3A_331 : i32
      %dma_start3A_333 = arith.constant 17 : i32
      %dma_start3A_334 = arith.constant 0 : i32
      %dma_start3A_335 = tpu.memref_slice %arg7[%dma_start3A_333, %dma_start3A_334] : memref<25x128xi32, #tpu.memory_space<vmem>> -> memref<1x128xi32, #tpu.memory_space<vmem>>
      %dma_start3A_336 = tpu.memref_squeeze %dma_start3A_335 : memref<1x128xi32, #tpu.memory_space<vmem>> -> memref<128xi32, #tpu.memory_space<vmem>>
      %dma_start3A_337 = tpu.memref_slice %arg3[%mul3A_332] : memref<100000xi32, #tpu.memory_space<hbm>> -> memref<128xi32, #tpu.memory_space<hbm>>
      %dma_start3A_338 = arith.constant 0 : i32
      %dma_start3A_339 = tpu.memref_slice %arg7[%dma_start3A_333, %dma_start3A_338] : memref<25x128xi32, #tpu.memory_space<vmem>> -> memref<1x128xi32, #tpu.memory_space<vmem>>
      %dma_start3A_340 = tpu.memref_squeeze %dma_start3A_339 : memref<1x128xi32, #tpu.memory_space<vmem>> -> memref<128xi32, #tpu.memory_space<vmem>>
      %dma_start3A_341 = tpu.memref_slice %arg3[%mul3A_332] : memref<100000xi32, #tpu.memory_space<hbm>> -> memref<128xi32, #tpu.memory_space<hbm>>
      tpu.enqueue_dma source(%dma_start3A_341 : memref<128xi32, #tpu.memory_space<hbm>>) target(%dma_start3A_340 : memref<128xi32, #tpu.memory_space<vmem>>) target_semaphore(%arg15 : memref<!tpu.dma_semaphore, #tpu.memory_space<semaphore_mem>>)
    } else {
    }
    %gt3A_96 = arith.constant 18 : i32
    %gt3A_97 = arith.cmpi sgt, %add3A_8, %gt3A_96 : i32
    %convert_element_type3A_98 = arith.extui %gt3A_97 : i1 to i32
    %cond3A_99 = arith.constant 0 : i32
    %cond3A_100 = arith.cmpi ne, %convert_element_type3A_98, %cond3A_99 : i32
    scf.if %cond3A_100 {
      %add3A_329 = arith.constant 18 : i32
      %add3A_330 = arith.addi %add3A_4, %add3A_329 : i32
      %mul3A_331 = arith.constant 128 : i32
      %mul3A_332 = arith.muli %add3A_330, %mul3A_331 : i32
      %dma_start3A_333 = arith.constant 18 : i32
      %dma_start3A_334 = arith.constant 0 : i32
      %dma_start3A_335 = tpu.memref_slice %arg7[%dma_start3A_333, %dma_start3A_334] : memref<25x128xi32, #tpu.memory_space<vmem>> -> memref<1x128xi32, #tpu.memory_space<vmem>>
      %dma_start3A_336 = tpu.memref_squeeze %dma_start3A_335 : memref<1x128xi32, #tpu.memory_space<vmem>> -> memref<128xi32, #tpu.memory_space<vmem>>
      %dma_start3A_337 = tpu.memref_slice %arg3[%mul3A_332] : memref<100000xi32, #tpu.memory_space<hbm>> -> memref<128xi32, #tpu.memory_space<hbm>>
      %dma_start3A_338 = arith.constant 0 : i32
      %dma_start3A_339 = tpu.memref_slice %arg7[%dma_start3A_333, %dma_start3A_338] : memref<25x128xi32, #tpu.memory_space<vmem>> -> memref<1x128xi32, #tpu.memory_space<vmem>>
      %dma_start3A_340 = tpu.memref_squeeze %dma_start3A_339 : memref<1x128xi32, #tpu.memory_space<vmem>> -> memref<128xi32, #tpu.memory_space<vmem>>
      %dma_start3A_341 = tpu.memref_slice %arg3[%mul3A_332] : memref<100000xi32, #tpu.memory_space<hbm>> -> memref<128xi32, #tpu.memory_space<hbm>>
      tpu.enqueue_dma source(%dma_start3A_341 : memref<128xi32, #tpu.memory_space<hbm>>) target(%dma_start3A_340 : memref<128xi32, #tpu.memory_space<vmem>>) target_semaphore(%arg15 : memref<!tpu.dma_semaphore, #tpu.memory_space<semaphore_mem>>)
    } else {
    }
    %gt3A_101 = arith.constant 19 : i32
    %gt3A_102 = arith.cmpi sgt, %add3A_8, %gt3A_101 : i32
    %convert_element_type3A_103 = arith.extui %gt3A_102 : i1 to i32
    %cond3A_104 = arith.constant 0 : i32
    %cond3A_105 = arith.cmpi ne, %convert_element_type3A_103, %cond3A_104 : i32
    scf.if %cond3A_105 {
      %add3A_329 = arith.constant 19 : i32
      %add3A_330 = arith.addi %add3A_4, %add3A_329 : i32
      %mul3A_331 = arith.constant 128 : i32
      %mul3A_332 = arith.muli %add3A_330, %mul3A_331 : i32
      %dma_start3A_333 = arith.constant 19 : i32
      %dma_start3A_334 = arith.constant 0 : i32
      %dma_start3A_335 = tpu.memref_slice %arg7[%dma_start3A_333, %dma_start3A_334] : memref<25x128xi32, #tpu.memory_space<vmem>> -> memref<1x128xi32, #tpu.memory_space<vmem>>
      %dma_start3A_336 = tpu.memref_squeeze %dma_start3A_335 : memref<1x128xi32, #tpu.memory_space<vmem>> -> memref<128xi32, #tpu.memory_space<vmem>>
      %dma_start3A_337 = tpu.memref_slice %arg3[%mul3A_332] : memref<100000xi32, #tpu.memory_space<hbm>> -> memref<128xi32, #tpu.memory_space<hbm>>
      %dma_start3A_338 = arith.constant 0 : i32
      %dma_start3A_339 = tpu.memref_slice %arg7[%dma_start3A_333, %dma_start3A_338] : memref<25x128xi32, #tpu.memory_space<vmem>> -> memref<1x128xi32, #tpu.memory_space<vmem>>
      %dma_start3A_340 = tpu.memref_squeeze %dma_start3A_339 : memref<1x128xi32, #tpu.memory_space<vmem>> -> memref<128xi32, #tpu.memory_space<vmem>>
      %dma_start3A_341 = tpu.memref_slice %arg3[%mul3A_332] : memref<100000xi32, #tpu.memory_space<hbm>> -> memref<128xi32, #tpu.memory_space<hbm>>
      tpu.enqueue_dma source(%dma_start3A_341 : memref<128xi32, #tpu.memory_space<hbm>>) target(%dma_start3A_340 : memref<128xi32, #tpu.memory_space<vmem>>) target_semaphore(%arg15 : memref<!tpu.dma_semaphore, #tpu.memory_space<semaphore_mem>>)
    } else {
    }
    %gt3A_106 = arith.constant 20 : i32
    %gt3A_107 = arith.cmpi sgt, %add3A_8, %gt3A_106 : i32
    %convert_element_type3A_108 = arith.extui %gt3A_107 : i1 to i32
    %cond3A_109 = arith.constant 0 : i32
    %cond3A_110 = arith.cmpi ne, %convert_element_type3A_108, %cond3A_109 : i32
    scf.if %cond3A_110 {
      %add3A_329 = arith.constant 20 : i32
      %add3A_330 = arith.addi %add3A_4, %add3A_329 : i32
      %mul3A_331 = arith.constant 128 : i32
      %mul3A_332 = arith.muli %add3A_330, %mul3A_331 : i32
      %dma_start3A_333 = arith.constant 20 : i32
      %dma_start3A_334 = arith.constant 0 : i32
      %dma_start3A_335 = tpu.memref_slice %arg7[%dma_start3A_333, %dma_start3A_334] : memref<25x128xi32, #tpu.memory_space<vmem>> -> memref<1x128xi32, #tpu.memory_space<vmem>>
      %dma_start3A_336 = tpu.memref_squeeze %dma_start3A_335 : memref<1x128xi32, #tpu.memory_space<vmem>> -> memref<128xi32, #tpu.memory_space<vmem>>
      %dma_start3A_337 = tpu.memref_slice %arg3[%mul3A_332] : memref<100000xi32, #tpu.memory_space<hbm>> -> memref<128xi32, #tpu.memory_space<hbm>>
      %dma_start3A_338 = arith.constant 0 : i32
      %dma_start3A_339 = tpu.memref_slice %arg7[%dma_start3A_333, %dma_start3A_338] : memref<25x128xi32, #tpu.memory_space<vmem>> -> memref<1x128xi32, #tpu.memory_space<vmem>>
      %dma_start3A_340 = tpu.memref_squeeze %dma_start3A_339 : memref<1x128xi32, #tpu.memory_space<vmem>> -> memref<128xi32, #tpu.memory_space<vmem>>
      %dma_start3A_341 = tpu.memref_slice %arg3[%mul3A_332] : memref<100000xi32, #tpu.memory_space<hbm>> -> memref<128xi32, #tpu.memory_space<hbm>>
      tpu.enqueue_dma source(%dma_start3A_341 : memref<128xi32, #tpu.memory_space<hbm>>) target(%dma_start3A_340 : memref<128xi32, #tpu.memory_space<vmem>>) target_semaphore(%arg15 : memref<!tpu.dma_semaphore, #tpu.memory_space<semaphore_mem>>)
    } else {
    }
    %gt3A_111 = arith.constant 21 : i32
    %gt3A_112 = arith.cmpi sgt, %add3A_8, %gt3A_111 : i32
    %convert_element_type3A_113 = arith.extui %gt3A_112 : i1 to i32
    %cond3A_114 = arith.constant 0 : i32
    %cond3A_115 = arith.cmpi ne, %convert_element_type3A_113, %cond3A_114 : i32
    scf.if %cond3A_115 {
      %add3A_329 = arith.constant 21 : i32
      %add3A_330 = arith.addi %add3A_4, %add3A_329 : i32
      %mul3A_331 = arith.constant 128 : i32
      %mul3A_332 = arith.muli %add3A_330, %mul3A_331 : i32
      %dma_start3A_333 = arith.constant 21 : i32
      %dma_start3A_334 = arith.constant 0 : i32
      %dma_start3A_335 = tpu.memref_slice %arg7[%dma_start3A_333, %dma_start3A_334] : memref<25x128xi32, #tpu.memory_space<vmem>> -> memref<1x128xi32, #tpu.memory_space<vmem>>
      %dma_start3A_336 = tpu.memref_squeeze %dma_start3A_335 : memref<1x128xi32, #tpu.memory_space<vmem>> -> memref<128xi32, #tpu.memory_space<vmem>>
      %dma_start3A_337 = tpu.memref_slice %arg3[%mul3A_332] : memref<100000xi32, #tpu.memory_space<hbm>> -> memref<128xi32, #tpu.memory_space<hbm>>
      %dma_start3A_338 = arith.constant 0 : i32
      %dma_start3A_339 = tpu.memref_slice %arg7[%dma_start3A_333, %dma_start3A_338] : memref<25x128xi32, #tpu.memory_space<vmem>> -> memref<1x128xi32, #tpu.memory_space<vmem>>
      %dma_start3A_340 = tpu.memref_squeeze %dma_start3A_339 : memref<1x128xi32, #tpu.memory_space<vmem>> -> memref<128xi32, #tpu.memory_space<vmem>>
      %dma_start3A_341 = tpu.memref_slice %arg3[%mul3A_332] : memref<100000xi32, #tpu.memory_space<hbm>> -> memref<128xi32, #tpu.memory_space<hbm>>
      tpu.enqueue_dma source(%dma_start3A_341 : memref<128xi32, #tpu.memory_space<hbm>>) target(%dma_start3A_340 : memref<128xi32, #tpu.memory_space<vmem>>) target_semaphore(%arg15 : memref<!tpu.dma_semaphore, #tpu.memory_space<semaphore_mem>>)
    } else {
    }
    %gt3A_116 = arith.constant 22 : i32
    %gt3A_117 = arith.cmpi sgt, %add3A_8, %gt3A_116 : i32
    %convert_element_type3A_118 = arith.extui %gt3A_117 : i1 to i32
    %cond3A_119 = arith.constant 0 : i32
    %cond3A_120 = arith.cmpi ne, %convert_element_type3A_118, %cond3A_119 : i32
    scf.if %cond3A_120 {
      %add3A_329 = arith.constant 22 : i32
      %add3A_330 = arith.addi %add3A_4, %add3A_329 : i32
      %mul3A_331 = arith.constant 128 : i32
      %mul3A_332 = arith.muli %add3A_330, %mul3A_331 : i32
      %dma_start3A_333 = arith.constant 22 : i32
      %dma_start3A_334 = arith.constant 0 : i32
      %dma_start3A_335 = tpu.memref_slice %arg7[%dma_start3A_333, %dma_start3A_334] : memref<25x128xi32, #tpu.memory_space<vmem>> -> memref<1x128xi32, #tpu.memory_space<vmem>>
      %dma_start3A_336 = tpu.memref_squeeze %dma_start3A_335 : memref<1x128xi32, #tpu.memory_space<vmem>> -> memref<128xi32, #tpu.memory_space<vmem>>
      %dma_start3A_337 = tpu.memref_slice %arg3[%mul3A_332] : memref<100000xi32, #tpu.memory_space<hbm>> -> memref<128xi32, #tpu.memory_space<hbm>>
      %dma_start3A_338 = arith.constant 0 : i32
      %dma_start3A_339 = tpu.memref_slice %arg7[%dma_start3A_333, %dma_start3A_338] : memref<25x128xi32, #tpu.memory_space<vmem>> -> memref<1x128xi32, #tpu.memory_space<vmem>>
      %dma_start3A_340 = tpu.memref_squeeze %dma_start3A_339 : memref<1x128xi32, #tpu.memory_space<vmem>> -> memref<128xi32, #tpu.memory_space<vmem>>
      %dma_start3A_341 = tpu.memref_slice %arg3[%mul3A_332] : memref<100000xi32, #tpu.memory_space<hbm>> -> memref<128xi32, #tpu.memory_space<hbm>>
      tpu.enqueue_dma source(%dma_start3A_341 : memref<128xi32, #tpu.memory_space<hbm>>) target(%dma_start3A_340 : memref<128xi32, #tpu.memory_space<vmem>>) target_semaphore(%arg15 : memref<!tpu.dma_semaphore, #tpu.memory_space<semaphore_mem>>)
    } else {
    }
    %gt3A_121 = arith.constant 23 : i32
    %gt3A_122 = arith.cmpi sgt, %add3A_8, %gt3A_121 : i32
    %convert_element_type3A_123 = arith.extui %gt3A_122 : i1 to i32
    %cond3A_124 = arith.constant 0 : i32
    %cond3A_125 = arith.cmpi ne, %convert_element_type3A_123, %cond3A_124 : i32
    scf.if %cond3A_125 {
      %add3A_329 = arith.constant 23 : i32
      %add3A_330 = arith.addi %add3A_4, %add3A_329 : i32
      %mul3A_331 = arith.constant 128 : i32
      %mul3A_332 = arith.muli %add3A_330, %mul3A_331 : i32
      %dma_start3A_333 = arith.constant 23 : i32
      %dma_start3A_334 = arith.constant 0 : i32
      %dma_start3A_335 = tpu.memref_slice %arg7[%dma_start3A_333, %dma_start3A_334] : memref<25x128xi32, #tpu.memory_space<vmem>> -> memref<1x128xi32, #tpu.memory_space<vmem>>
      %dma_start3A_336 = tpu.memref_squeeze %dma_start3A_335 : memref<1x128xi32, #tpu.memory_space<vmem>> -> memref<128xi32, #tpu.memory_space<vmem>>
      %dma_start3A_337 = tpu.memref_slice %arg3[%mul3A_332] : memref<100000xi32, #tpu.memory_space<hbm>> -> memref<128xi32, #tpu.memory_space<hbm>>
      %dma_start3A_338 = arith.constant 0 : i32
      %dma_start3A_339 = tpu.memref_slice %arg7[%dma_start3A_333, %dma_start3A_338] : memref<25x128xi32, #tpu.memory_space<vmem>> -> memref<1x128xi32, #tpu.memory_space<vmem>>
      %dma_start3A_340 = tpu.memref_squeeze %dma_start3A_339 : memref<1x128xi32, #tpu.memory_space<vmem>> -> memref<128xi32, #tpu.memory_space<vmem>>
      %dma_start3A_341 = tpu.memref_slice %arg3[%mul3A_332] : memref<100000xi32, #tpu.memory_space<hbm>> -> memref<128xi32, #tpu.memory_space<hbm>>
      tpu.enqueue_dma source(%dma_start3A_341 : memref<128xi32, #tpu.memory_space<hbm>>) target(%dma_start3A_340 : memref<128xi32, #tpu.memory_space<vmem>>) target_semaphore(%arg15 : memref<!tpu.dma_semaphore, #tpu.memory_space<semaphore_mem>>)
    } else {
    }
    %gt3A_126 = arith.constant 24 : i32
    %gt3A_127 = arith.cmpi sgt, %add3A_8, %gt3A_126 : i32
    %convert_element_type3A_128 = arith.extui %gt3A_127 : i1 to i32
    %cond3A_129 = arith.constant 0 : i32
    %cond3A_130 = arith.cmpi ne, %convert_element_type3A_128, %cond3A_129 : i32
    scf.if %cond3A_130 {
      %add3A_329 = arith.constant 24 : i32
      %add3A_330 = arith.addi %add3A_4, %add3A_329 : i32
      %mul3A_331 = arith.constant 128 : i32
      %mul3A_332 = arith.muli %add3A_330, %mul3A_331 : i32
      %dma_start3A_333 = arith.constant 24 : i32
      %dma_start3A_334 = arith.constant 0 : i32
      %dma_start3A_335 = tpu.memref_slice %arg7[%dma_start3A_333, %dma_start3A_334] : memref<25x128xi32, #tpu.memory_space<vmem>> -> memref<1x128xi32, #tpu.memory_space<vmem>>
      %dma_start3A_336 = tpu.memref_squeeze %dma_start3A_335 : memref<1x128xi32, #tpu.memory_space<vmem>> -> memref<128xi32, #tpu.memory_space<vmem>>
      %dma_start3A_337 = tpu.memref_slice %arg3[%mul3A_332] : memref<100000xi32, #tpu.memory_space<hbm>> -> memref<128xi32, #tpu.memory_space<hbm>>
      %dma_start3A_338 = arith.constant 0 : i32
      %dma_start3A_339 = tpu.memref_slice %arg7[%dma_start3A_333, %dma_start3A_338] : memref<25x128xi32, #tpu.memory_space<vmem>> -> memref<1x128xi32, #tpu.memory_space<vmem>>
      %dma_start3A_340 = tpu.memref_squeeze %dma_start3A_339 : memref<1x128xi32, #tpu.memory_space<vmem>> -> memref<128xi32, #tpu.memory_space<vmem>>
      %dma_start3A_341 = tpu.memref_slice %arg3[%mul3A_332] : memref<100000xi32, #tpu.memory_space<hbm>> -> memref<128xi32, #tpu.memory_space<hbm>>
      tpu.enqueue_dma source(%dma_start3A_341 : memref<128xi32, #tpu.memory_space<hbm>>) target(%dma_start3A_340 : memref<128xi32, #tpu.memory_space<vmem>>) target_semaphore(%arg15 : memref<!tpu.dma_semaphore, #tpu.memory_space<semaphore_mem>>)
    } else {
    }
    %add3A_131 = arith.constant 0 : i32
    %add3A_132 = arith.addi %add3A_4, %add3A_131 : i32
    %mul3A_133 = arith.constant 128 : i32
    %mul3A_134 = arith.muli %add3A_132, %mul3A_133 : i32
    %dma_start3A = arith.constant 0 : i32
    %dma_start3A_135 = arith.constant 0 : i32
    %dma_start3A_136 = arith.constant 0 : i32
    %dma_start3A_137 = arith.constant 0 : i32
    %dma_start3A_138 = tpu.memref_slice %arg6[%dma_start3A, %dma_start3A_136, %dma_start3A_137] : memref<2x128x128xf32, #tpu.memory_space<vmem>> -> memref<1x128x128xf32, #tpu.memory_space<vmem>>
    %dma_start3A_139 = tpu.memref_squeeze %dma_start3A_138 : memref<1x128x128xf32, #tpu.memory_space<vmem>> -> memref<128x128xf32, #tpu.memory_space<vmem>>
    %dma_start3A_140 = arith.constant 0 : i32
    %dma_start3A_141 = tpu.memref_slice %arg2[%mul3A_134, %dma_start3A_140] : memref<100000x128xf32, #tpu.memory_space<hbm>> -> memref<128x128xf32, #tpu.memory_space<hbm>>
    %dma_start3A_142 = tpu.memref_slice %arg13[%dma_start3A_135] : memref<2x!tpu.dma_semaphore, #tpu.memory_space<semaphore_mem>> -> memref<1x!tpu.dma_semaphore, #tpu.memory_space<semaphore_mem>>
    %dma_start3A_143 = tpu.memref_squeeze %dma_start3A_142 : memref<1x!tpu.dma_semaphore, #tpu.memory_space<semaphore_mem>> -> memref<!tpu.dma_semaphore, #tpu.memory_space<semaphore_mem>>
    %dma_start3A_144 = arith.constant 0 : i32
    %dma_start3A_145 = arith.constant 0 : i32
    %dma_start3A_146 = tpu.memref_slice %arg6[%dma_start3A, %dma_start3A_144, %dma_start3A_145] : memref<2x128x128xf32, #tpu.memory_space<vmem>> -> memref<1x128x128xf32, #tpu.memory_space<vmem>>
    %dma_start3A_147 = tpu.memref_squeeze %dma_start3A_146 : memref<1x128x128xf32, #tpu.memory_space<vmem>> -> memref<128x128xf32, #tpu.memory_space<vmem>>
    %dma_start3A_148 = arith.constant 0 : i32
    %dma_start3A_149 = tpu.memref_slice %arg2[%mul3A_134, %dma_start3A_148] : memref<100000x128xf32, #tpu.memory_space<hbm>> -> memref<128x128xf32, #tpu.memory_space<hbm>>
    tpu.enqueue_dma source(%dma_start3A_149 : memref<128x128xf32, #tpu.memory_space<hbm>>) target(%dma_start3A_147 : memref<128x128xf32, #tpu.memory_space<vmem>>) target_semaphore(%dma_start3A_143 : memref<!tpu.dma_semaphore, #tpu.memory_space<semaphore_mem>>)
    %add3A_150 = arith.constant 1 : i32
    %add3A_151 = arith.addi %add3A_4, %add3A_150 : i32
    %mul3A_152 = arith.constant 128 : i32
    %mul3A_153 = arith.muli %add3A_151, %mul3A_152 : i32
    %dma_start3A_154 = arith.constant 1 : i32
    %dma_start3A_155 = arith.constant 1 : i32
    %dma_start3A_156 = arith.constant 0 : i32
    %dma_start3A_157 = arith.constant 0 : i32
    %dma_start3A_158 = tpu.memref_slice %arg6[%dma_start3A_154, %dma_start3A_156, %dma_start3A_157] : memref<2x128x128xf32, #tpu.memory_space<vmem>> -> memref<1x128x128xf32, #tpu.memory_space<vmem>>
    %dma_start3A_159 = tpu.memref_squeeze %dma_start3A_158 : memref<1x128x128xf32, #tpu.memory_space<vmem>> -> memref<128x128xf32, #tpu.memory_space<vmem>>
    %dma_start3A_160 = arith.constant 0 : i32
    %dma_start3A_161 = tpu.memref_slice %arg2[%mul3A_153, %dma_start3A_160] : memref<100000x128xf32, #tpu.memory_space<hbm>> -> memref<128x128xf32, #tpu.memory_space<hbm>>
    %dma_start3A_162 = tpu.memref_slice %arg13[%dma_start3A_155] : memref<2x!tpu.dma_semaphore, #tpu.memory_space<semaphore_mem>> -> memref<1x!tpu.dma_semaphore, #tpu.memory_space<semaphore_mem>>
    %dma_start3A_163 = tpu.memref_squeeze %dma_start3A_162 : memref<1x!tpu.dma_semaphore, #tpu.memory_space<semaphore_mem>> -> memref<!tpu.dma_semaphore, #tpu.memory_space<semaphore_mem>>
    %dma_start3A_164 = arith.constant 0 : i32
    %dma_start3A_165 = arith.constant 0 : i32
    %dma_start3A_166 = tpu.memref_slice %arg6[%dma_start3A_154, %dma_start3A_164, %dma_start3A_165] : memref<2x128x128xf32, #tpu.memory_space<vmem>> -> memref<1x128x128xf32, #tpu.memory_space<vmem>>
    %dma_start3A_167 = tpu.memref_squeeze %dma_start3A_166 : memref<1x128x128xf32, #tpu.memory_space<vmem>> -> memref<128x128xf32, #tpu.memory_space<vmem>>
    %dma_start3A_168 = arith.constant 0 : i32
    %dma_start3A_169 = tpu.memref_slice %arg2[%mul3A_153, %dma_start3A_168] : memref<100000x128xf32, #tpu.memory_space<hbm>> -> memref<128x128xf32, #tpu.memory_space<hbm>>
    tpu.enqueue_dma source(%dma_start3A_169 : memref<128x128xf32, #tpu.memory_space<hbm>>) target(%dma_start3A_167 : memref<128x128xf32, #tpu.memory_space<vmem>>) target_semaphore(%dma_start3A_163 : memref<!tpu.dma_semaphore, #tpu.memory_space<semaphore_mem>>)
    %broadcast_in_dim3A = arith.constant 0.000000e+00 : f32
    %broadcast_in_dim3A_170 = vector.broadcast %broadcast_in_dim3A : f32 to vector<16xf32>
    %scan3A = arith.constant 0 : i32
    %scan3A_171 = arith.constant 0 : i32
    %scan3A_172 = arith.constant 32 : i32
    %scan3A_173 = arith.addi %scan3A_171, %scan3A_172 : i32
    %scan3A_174 = arith.constant 1 : i32
    scf.for %scan3A_329 = %scan3A_171 to %scan3A_173 step %scan3A_174  : i32 {
      %scan3A_330 = arith.constant 0 : i32
      %scan3A_331 = arith.constant 8 : i32
      %scan3A_332 = arith.addi %scan3A_330, %scan3A_331 : i32
      %scan3A_333 = arith.constant 1 : i32
      scf.for %scan3A_335 = %scan3A_330 to %scan3A_332 step %scan3A_333  : i32 {
        %mul3A_336 = arith.constant 16 : i32
        %mul3A_337 = arith.muli %scan3A_335, %mul3A_336 : i32
        %swap3A = arith.index_cast %scan3A_329 : i32 to index
        %swap3A_338 = arith.index_cast %mul3A_337 : i32 to index
        %swap3A_339 = tpu.vector_load %arg11[%swap3A, %swap3A_338] {strides = array<i32>} : memref<32x128xf32, #tpu.memory_space<vmem>>, vector<16xf32>,
        tpu.vector_store %arg11[%swap3A, %swap3A_338], %broadcast_in_dim3A_170 {strides = array<i32>} : memref<32x128xf32, #tpu.memory_space<vmem>>, vector<16xf32>,
      }
      %scan3A_334 = arith.constant 8 : i32
    }
    %scan3A_175 = arith.constant 32 : i32
    %scan3A_176 = arith.constant 0 : i32
    %scan3A_177 = arith.constant 0 : i32
    %scan3A_178 = arith.constant 32 : i32
    %scan3A_179 = arith.addi %scan3A_177, %scan3A_178 : i32
    %scan3A_180 = arith.constant 1 : i32
    scf.for %scan3A_329 = %scan3A_177 to %scan3A_179 step %scan3A_180  : i32 {
      %mul3A_330 = arith.constant 16 : i32
      %mul3A_331 = arith.muli %scan3A_329, %mul3A_330 : i32
      %swap3A = arith.index_cast %mul3A_331 : i32 to index
      %swap3A_332 = tpu.vector_load %arg10[%swap3A] {strides = array<i32>} : memref<512xf32, #tpu.memory_space<vmem>>, vector<16xf32>,
      tpu.vector_store %arg10[%swap3A], %broadcast_in_dim3A_170 {strides = array<i32>} : memref<512xf32, #tpu.memory_space<vmem>>, vector<16xf32>,
    }
    %scan3A_181 = arith.constant 32 : i32
    %mul3A_182 = arith.constant 32 : i32
    %mul3A_183 = arith.muli %arg1, %mul3A_182 : i32
    "tpu.region"() ({
      %run_scoped3A = tpu.sem_alloc : memref<!tpu.dma_semaphore, #tpu.memory_space<semaphore_mem>>
      %dma_start3A_329 = arith.constant 0 : i32
      %dma_start3A_330 = tpu.memref_slice %arg12[%mul3A_183, %dma_start3A_329] : memref<512x128xf32, #tpu.memory_space<vmem_shared>> -> memref<32x128xf32, #tpu.memory_space<vmem_shared>>
      %dma_start3A_331 = arith.constant 0 : i32
      %dma_start3A_332 = tpu.memref_slice %arg12[%mul3A_183, %dma_start3A_331] : memref<512x128xf32, #tpu.memory_space<vmem_shared>> -> memref<32x128xf32, #tpu.memory_space<vmem_shared>>
      tpu.enqueue_dma source(%arg11 : memref<32x128xf32, #tpu.memory_space<vmem>>) target(%dma_start3A_332 : memref<32x128xf32, #tpu.memory_space<vmem_shared>>) target_semaphore(%run_scoped3A : memref<!tpu.dma_semaphore, #tpu.memory_space<semaphore_mem>>)
      %dma_wait3A = arith.constant 0 : i32
      %dma_wait3A_333 = tpu.memref_slice %arg12[%mul3A_183, %dma_wait3A] : memref<512x128xf32, #tpu.memory_space<vmem_shared>> -> memref<32x128xf32, #tpu.memory_space<vmem_shared>>
      %dma_wait3A_334 = arith.constant 0 : i32
      %dma_wait3A_335 = tpu.memref_slice %arg12[%mul3A_183, %dma_wait3A_334] : memref<512x128xf32, #tpu.memory_space<vmem_shared>> -> memref<32x128xf32, #tpu.memory_space<vmem_shared>>
      tpu.wait_dma2 semaphore(%run_scoped3A : memref<!tpu.dma_semaphore, #tpu.memory_space<semaphore_mem>>) src(%arg11 : memref<32x128xf32, #tpu.memory_space<vmem>>) dst(%dma_wait3A_335 : memref<32x128xf32, #tpu.memory_space<vmem_shared>>)
      tpu.yield
    }) : () -> ()
    %barrier3A = arith.constant 0 : index
    tpu.barrier barrier_id(%barrier3A)
    %gt3A_184 = arith.constant 0 : i32
    %gt3A_185 = arith.cmpi sgt, %add3A_8, %gt3A_184 : i32
    %convert_element_type3A_186 = arith.extui %gt3A_185 : i1 to i32
    %cond3A_187 = arith.constant 0 : i32
    %cond3A_188 = arith.cmpi ne, %convert_element_type3A_186, %cond3A_187 : i32
    scf.if %cond3A_188 {
      %add3A_329 = arith.constant 0 : i32
      %add3A_330 = arith.addi %add3A_4, %add3A_329 : i32
      %mul3A_331 = arith.constant 128 : i32
      %mul3A_332 = arith.muli %add3A_330, %mul3A_331 : i32
      %dma_wait3A = arith.constant 0 : i32
      %dma_wait3A_333 = arith.constant 0 : i32
      %dma_wait3A_334 = tpu.memref_slice %arg7[%dma_wait3A, %dma_wait3A_333] : memref<25x128xi32, #tpu.memory_space<vmem>> -> memref<1x128xi32, #tpu.memory_space<vmem>>
      %dma_wait3A_335 = tpu.memref_squeeze %dma_wait3A_334 : memref<1x128xi32, #tpu.memory_space<vmem>> -> memref<128xi32, #tpu.memory_space<vmem>>
      %dma_wait3A_336 = tpu.memref_slice %arg3[%mul3A_332] : memref<100000xi32, #tpu.memory_space<hbm>> -> memref<128xi32, #tpu.memory_space<hbm>>
      %dma_wait3A_337 = arith.constant 0 : i32
      %dma_wait3A_338 = tpu.memref_slice %arg7[%dma_wait3A, %dma_wait3A_337] : memref<25x128xi32, #tpu.memory_space<vmem>> -> memref<1x128xi32, #tpu.memory_space<vmem>>
      %dma_wait3A_339 = tpu.memref_squeeze %dma_wait3A_338 : memref<1x128xi32, #tpu.memory_space<vmem>> -> memref<128xi32, #tpu.memory_space<vmem>>
      %dma_wait3A_340 = tpu.memref_slice %arg3[%mul3A_332] : memref<100000xi32, #tpu.memory_space<hbm>> -> memref<128xi32, #tpu.memory_space<hbm>>
      tpu.wait_dma2 semaphore(%arg15 : memref<!tpu.dma_semaphore, #tpu.memory_space<semaphore_mem>>) src(%dma_wait3A_340 : memref<128xi32, #tpu.memory_space<hbm>>) dst(%dma_wait3A_339 : memref<128xi32, #tpu.memory_space<vmem>>)
    } else {
    }
    %gt3A_189 = arith.constant 1 : i32
    %gt3A_190 = arith.cmpi sgt, %add3A_8, %gt3A_189 : i32
    %convert_element_type3A_191 = arith.extui %gt3A_190 : i1 to i32
    %cond3A_192 = arith.constant 0 : i32
    %cond3A_193 = arith.cmpi ne, %convert_element_type3A_191, %cond3A_192 : i32
    scf.if %cond3A_193 {
      %add3A_329 = arith.constant 1 : i32
      %add3A_330 = arith.addi %add3A_4, %add3A_329 : i32
      %mul3A_331 = arith.constant 128 : i32
      %mul3A_332 = arith.muli %add3A_330, %mul3A_331 : i32
      %dma_wait3A = arith.constant 1 : i32
      %dma_wait3A_333 = arith.constant 0 : i32
      %dma_wait3A_334 = tpu.memref_slice %arg7[%dma_wait3A, %dma_wait3A_333] : memref<25x128xi32, #tpu.memory_space<vmem>> -> memref<1x128xi32, #tpu.memory_space<vmem>>
      %dma_wait3A_335 = tpu.memref_squeeze %dma_wait3A_334 : memref<1x128xi32, #tpu.memory_space<vmem>> -> memref<128xi32, #tpu.memory_space<vmem>>
      %dma_wait3A_336 = tpu.memref_slice %arg3[%mul3A_332] : memref<100000xi32, #tpu.memory_space<hbm>> -> memref<128xi32, #tpu.memory_space<hbm>>
      %dma_wait3A_337 = arith.constant 0 : i32
      %dma_wait3A_338 = tpu.memref_slice %arg7[%dma_wait3A, %dma_wait3A_337] : memref<25x128xi32, #tpu.memory_space<vmem>> -> memref<1x128xi32, #tpu.memory_space<vmem>>
      %dma_wait3A_339 = tpu.memref_squeeze %dma_wait3A_338 : memref<1x128xi32, #tpu.memory_space<vmem>> -> memref<128xi32, #tpu.memory_space<vmem>>
      %dma_wait3A_340 = tpu.memref_slice %arg3[%mul3A_332] : memref<100000xi32, #tpu.memory_space<hbm>> -> memref<128xi32, #tpu.memory_space<hbm>>
      tpu.wait_dma2 semaphore(%arg15 : memref<!tpu.dma_semaphore, #tpu.memory_space<semaphore_mem>>) src(%dma_wait3A_340 : memref<128xi32, #tpu.memory_space<hbm>>) dst(%dma_wait3A_339 : memref<128xi32, #tpu.memory_space<vmem>>)
    } else {
    }
    %gt3A_194 = arith.constant 2 : i32
    %gt3A_195 = arith.cmpi sgt, %add3A_8, %gt3A_194 : i32
    %convert_element_type3A_196 = arith.extui %gt3A_195 : i1 to i32
    %cond3A_197 = arith.constant 0 : i32
    %cond3A_198 = arith.cmpi ne, %convert_element_type3A_196, %cond3A_197 : i32
    scf.if %cond3A_198 {
      %add3A_329 = arith.constant 2 : i32
      %add3A_330 = arith.addi %add3A_4, %add3A_329 : i32
      %mul3A_331 = arith.constant 128 : i32
      %mul3A_332 = arith.muli %add3A_330, %mul3A_331 : i32
      %dma_wait3A = arith.constant 2 : i32
      %dma_wait3A_333 = arith.constant 0 : i32
      %dma_wait3A_334 = tpu.memref_slice %arg7[%dma_wait3A, %dma_wait3A_333] : memref<25x128xi32, #tpu.memory_space<vmem>> -> memref<1x128xi32, #tpu.memory_space<vmem>>
      %dma_wait3A_335 = tpu.memref_squeeze %dma_wait3A_334 : memref<1x128xi32, #tpu.memory_space<vmem>> -> memref<128xi32, #tpu.memory_space<vmem>>
      %dma_wait3A_336 = tpu.memref_slice %arg3[%mul3A_332] : memref<100000xi32, #tpu.memory_space<hbm>> -> memref<128xi32, #tpu.memory_space<hbm>>
      %dma_wait3A_337 = arith.constant 0 : i32
      %dma_wait3A_338 = tpu.memref_slice %arg7[%dma_wait3A, %dma_wait3A_337] : memref<25x128xi32, #tpu.memory_space<vmem>> -> memref<1x128xi32, #tpu.memory_space<vmem>>
      %dma_wait3A_339 = tpu.memref_squeeze %dma_wait3A_338 : memref<1x128xi32, #tpu.memory_space<vmem>> -> memref<128xi32, #tpu.memory_space<vmem>>
      %dma_wait3A_340 = tpu.memref_slice %arg3[%mul3A_332] : memref<100000xi32, #tpu.memory_space<hbm>> -> memref<128xi32, #tpu.memory_space<hbm>>
      tpu.wait_dma2 semaphore(%arg15 : memref<!tpu.dma_semaphore, #tpu.memory_space<semaphore_mem>>) src(%dma_wait3A_340 : memref<128xi32, #tpu.memory_space<hbm>>) dst(%dma_wait3A_339 : memref<128xi32, #tpu.memory_space<vmem>>)
    } else {
    }
    %gt3A_199 = arith.constant 3 : i32
    %gt3A_200 = arith.cmpi sgt, %add3A_8, %gt3A_199 : i32
    %convert_element_type3A_201 = arith.extui %gt3A_200 : i1 to i32
    %cond3A_202 = arith.constant 0 : i32
    %cond3A_203 = arith.cmpi ne, %convert_element_type3A_201, %cond3A_202 : i32
    scf.if %cond3A_203 {
      %add3A_329 = arith.constant 3 : i32
      %add3A_330 = arith.addi %add3A_4, %add3A_329 : i32
      %mul3A_331 = arith.constant 128 : i32
      %mul3A_332 = arith.muli %add3A_330, %mul3A_331 : i32
      %dma_wait3A = arith.constant 3 : i32
      %dma_wait3A_333 = arith.constant 0 : i32
      %dma_wait3A_334 = tpu.memref_slice %arg7[%dma_wait3A, %dma_wait3A_333] : memref<25x128xi32, #tpu.memory_space<vmem>> -> memref<1x128xi32, #tpu.memory_space<vmem>>
      %dma_wait3A_335 = tpu.memref_squeeze %dma_wait3A_334 : memref<1x128xi32, #tpu.memory_space<vmem>> -> memref<128xi32, #tpu.memory_space<vmem>>
      %dma_wait3A_336 = tpu.memref_slice %arg3[%mul3A_332] : memref<100000xi32, #tpu.memory_space<hbm>> -> memref<128xi32, #tpu.memory_space<hbm>>
      %dma_wait3A_337 = arith.constant 0 : i32
      %dma_wait3A_338 = tpu.memref_slice %arg7[%dma_wait3A, %dma_wait3A_337] : memref<25x128xi32, #tpu.memory_space<vmem>> -> memref<1x128xi32, #tpu.memory_space<vmem>>
      %dma_wait3A_339 = tpu.memref_squeeze %dma_wait3A_338 : memref<1x128xi32, #tpu.memory_space<vmem>> -> memref<128xi32, #tpu.memory_space<vmem>>
      %dma_wait3A_340 = tpu.memref_slice %arg3[%mul3A_332] : memref<100000xi32, #tpu.memory_space<hbm>> -> memref<128xi32, #tpu.memory_space<hbm>>
      tpu.wait_dma2 semaphore(%arg15 : memref<!tpu.dma_semaphore, #tpu.memory_space<semaphore_mem>>) src(%dma_wait3A_340 : memref<128xi32, #tpu.memory_space<hbm>>) dst(%dma_wait3A_339 : memref<128xi32, #tpu.memory_space<vmem>>)
    } else {
    }
    %gt3A_204 = arith.constant 4 : i32
    %gt3A_205 = arith.cmpi sgt, %add3A_8, %gt3A_204 : i32
    %convert_element_type3A_206 = arith.extui %gt3A_205 : i1 to i32
    %cond3A_207 = arith.constant 0 : i32
    %cond3A_208 = arith.cmpi ne, %convert_element_type3A_206, %cond3A_207 : i32
    scf.if %cond3A_208 {
      %add3A_329 = arith.constant 4 : i32
      %add3A_330 = arith.addi %add3A_4, %add3A_329 : i32
      %mul3A_331 = arith.constant 128 : i32
      %mul3A_332 = arith.muli %add3A_330, %mul3A_331 : i32
      %dma_wait3A = arith.constant 4 : i32
      %dma_wait3A_333 = arith.constant 0 : i32
      %dma_wait3A_334 = tpu.memref_slice %arg7[%dma_wait3A, %dma_wait3A_333] : memref<25x128xi32, #tpu.memory_space<vmem>> -> memref<1x128xi32, #tpu.memory_space<vmem>>
      %dma_wait3A_335 = tpu.memref_squeeze %dma_wait3A_334 : memref<1x128xi32, #tpu.memory_space<vmem>> -> memref<128xi32, #tpu.memory_space<vmem>>
      %dma_wait3A_336 = tpu.memref_slice %arg3[%mul3A_332] : memref<100000xi32, #tpu.memory_space<hbm>> -> memref<128xi32, #tpu.memory_space<hbm>>
      %dma_wait3A_337 = arith.constant 0 : i32
      %dma_wait3A_338 = tpu.memref_slice %arg7[%dma_wait3A, %dma_wait3A_337] : memref<25x128xi32, #tpu.memory_space<vmem>> -> memref<1x128xi32, #tpu.memory_space<vmem>>
      %dma_wait3A_339 = tpu.memref_squeeze %dma_wait3A_338 : memref<1x128xi32, #tpu.memory_space<vmem>> -> memref<128xi32, #tpu.memory_space<vmem>>
      %dma_wait3A_340 = tpu.memref_slice %arg3[%mul3A_332] : memref<100000xi32, #tpu.memory_space<hbm>> -> memref<128xi32, #tpu.memory_space<hbm>>
      tpu.wait_dma2 semaphore(%arg15 : memref<!tpu.dma_semaphore, #tpu.memory_space<semaphore_mem>>) src(%dma_wait3A_340 : memref<128xi32, #tpu.memory_space<hbm>>) dst(%dma_wait3A_339 : memref<128xi32, #tpu.memory_space<vmem>>)
    } else {
    }
    %gt3A_209 = arith.constant 5 : i32
    %gt3A_210 = arith.cmpi sgt, %add3A_8, %gt3A_209 : i32
    %convert_element_type3A_211 = arith.extui %gt3A_210 : i1 to i32
    %cond3A_212 = arith.constant 0 : i32
    %cond3A_213 = arith.cmpi ne, %convert_element_type3A_211, %cond3A_212 : i32
    scf.if %cond3A_213 {
      %add3A_329 = arith.constant 5 : i32
      %add3A_330 = arith.addi %add3A_4, %add3A_329 : i32
      %mul3A_331 = arith.constant 128 : i32
      %mul3A_332 = arith.muli %add3A_330, %mul3A_331 : i32
      %dma_wait3A = arith.constant 5 : i32
      %dma_wait3A_333 = arith.constant 0 : i32
      %dma_wait3A_334 = tpu.memref_slice %arg7[%dma_wait3A, %dma_wait3A_333] : memref<25x128xi32, #tpu.memory_space<vmem>> -> memref<1x128xi32, #tpu.memory_space<vmem>>
      %dma_wait3A_335 = tpu.memref_squeeze %dma_wait3A_334 : memref<1x128xi32, #tpu.memory_space<vmem>> -> memref<128xi32, #tpu.memory_space<vmem>>
      %dma_wait3A_336 = tpu.memref_slice %arg3[%mul3A_332] : memref<100000xi32, #tpu.memory_space<hbm>> -> memref<128xi32, #tpu.memory_space<hbm>>
      %dma_wait3A_337 = arith.constant 0 : i32
      %dma_wait3A_338 = tpu.memref_slice %arg7[%dma_wait3A, %dma_wait3A_337] : memref<25x128xi32, #tpu.memory_space<vmem>> -> memref<1x128xi32, #tpu.memory_space<vmem>>
      %dma_wait3A_339 = tpu.memref_squeeze %dma_wait3A_338 : memref<1x128xi32, #tpu.memory_space<vmem>> -> memref<128xi32, #tpu.memory_space<vmem>>
      %dma_wait3A_340 = tpu.memref_slice %arg3[%mul3A_332] : memref<100000xi32, #tpu.memory_space<hbm>> -> memref<128xi32, #tpu.memory_space<hbm>>
      tpu.wait_dma2 semaphore(%arg15 : memref<!tpu.dma_semaphore, #tpu.memory_space<semaphore_mem>>) src(%dma_wait3A_340 : memref<128xi32, #tpu.memory_space<hbm>>) dst(%dma_wait3A_339 : memref<128xi32, #tpu.memory_space<vmem>>)
    } else {
    }
    %gt3A_214 = arith.constant 6 : i32
    %gt3A_215 = arith.cmpi sgt, %add3A_8, %gt3A_214 : i32
    %convert_element_type3A_216 = arith.extui %gt3A_215 : i1 to i32
    %cond3A_217 = arith.constant 0 : i32
    %cond3A_218 = arith.cmpi ne, %convert_element_type3A_216, %cond3A_217 : i32
    scf.if %cond3A_218 {
      %add3A_329 = arith.constant 6 : i32
      %add3A_330 = arith.addi %add3A_4, %add3A_329 : i32
      %mul3A_331 = arith.constant 128 : i32
      %mul3A_332 = arith.muli %add3A_330, %mul3A_331 : i32
      %dma_wait3A = arith.constant 6 : i32
      %dma_wait3A_333 = arith.constant 0 : i32
      %dma_wait3A_334 = tpu.memref_slice %arg7[%dma_wait3A, %dma_wait3A_333] : memref<25x128xi32, #tpu.memory_space<vmem>> -> memref<1x128xi32, #tpu.memory_space<vmem>>
      %dma_wait3A_335 = tpu.memref_squeeze %dma_wait3A_334 : memref<1x128xi32, #tpu.memory_space<vmem>> -> memref<128xi32, #tpu.memory_space<vmem>>
      %dma_wait3A_336 = tpu.memref_slice %arg3[%mul3A_332] : memref<100000xi32, #tpu.memory_space<hbm>> -> memref<128xi32, #tpu.memory_space<hbm>>
      %dma_wait3A_337 = arith.constant 0 : i32
      %dma_wait3A_338 = tpu.memref_slice %arg7[%dma_wait3A, %dma_wait3A_337] : memref<25x128xi32, #tpu.memory_space<vmem>> -> memref<1x128xi32, #tpu.memory_space<vmem>>
      %dma_wait3A_339 = tpu.memref_squeeze %dma_wait3A_338 : memref<1x128xi32, #tpu.memory_space<vmem>> -> memref<128xi32, #tpu.memory_space<vmem>>
      %dma_wait3A_340 = tpu.memref_slice %arg3[%mul3A_332] : memref<100000xi32, #tpu.memory_space<hbm>> -> memref<128xi32, #tpu.memory_space<hbm>>
      tpu.wait_dma2 semaphore(%arg15 : memref<!tpu.dma_semaphore, #tpu.memory_space<semaphore_mem>>) src(%dma_wait3A_340 : memref<128xi32, #tpu.memory_space<hbm>>) dst(%dma_wait3A_339 : memref<128xi32, #tpu.memory_space<vmem>>)
    } else {
    }
    %gt3A_219 = arith.constant 7 : i32
    %gt3A_220 = arith.cmpi sgt, %add3A_8, %gt3A_219 : i32
    %convert_element_type3A_221 = arith.extui %gt3A_220 : i1 to i32
    %cond3A_222 = arith.constant 0 : i32
    %cond3A_223 = arith.cmpi ne, %convert_element_type3A_221, %cond3A_222 : i32
    scf.if %cond3A_223 {
      %add3A_329 = arith.constant 7 : i32
      %add3A_330 = arith.addi %add3A_4, %add3A_329 : i32
      %mul3A_331 = arith.constant 128 : i32
      %mul3A_332 = arith.muli %add3A_330, %mul3A_331 : i32
      %dma_wait3A = arith.constant 7 : i32
      %dma_wait3A_333 = arith.constant 0 : i32
      %dma_wait3A_334 = tpu.memref_slice %arg7[%dma_wait3A, %dma_wait3A_333] : memref<25x128xi32, #tpu.memory_space<vmem>> -> memref<1x128xi32, #tpu.memory_space<vmem>>
      %dma_wait3A_335 = tpu.memref_squeeze %dma_wait3A_334 : memref<1x128xi32, #tpu.memory_space<vmem>> -> memref<128xi32, #tpu.memory_space<vmem>>
      %dma_wait3A_336 = tpu.memref_slice %arg3[%mul3A_332] : memref<100000xi32, #tpu.memory_space<hbm>> -> memref<128xi32, #tpu.memory_space<hbm>>
      %dma_wait3A_337 = arith.constant 0 : i32
      %dma_wait3A_338 = tpu.memref_slice %arg7[%dma_wait3A, %dma_wait3A_337] : memref<25x128xi32, #tpu.memory_space<vmem>> -> memref<1x128xi32, #tpu.memory_space<vmem>>
      %dma_wait3A_339 = tpu.memref_squeeze %dma_wait3A_338 : memref<1x128xi32, #tpu.memory_space<vmem>> -> memref<128xi32, #tpu.memory_space<vmem>>
      %dma_wait3A_340 = tpu.memref_slice %arg3[%mul3A_332] : memref<100000xi32, #tpu.memory_space<hbm>> -> memref<128xi32, #tpu.memory_space<hbm>>
      tpu.wait_dma2 semaphore(%arg15 : memref<!tpu.dma_semaphore, #tpu.memory_space<semaphore_mem>>) src(%dma_wait3A_340 : memref<128xi32, #tpu.memory_space<hbm>>) dst(%dma_wait3A_339 : memref<128xi32, #tpu.memory_space<vmem>>)
    } else {
    }
    %gt3A_224 = arith.constant 8 : i32
    %gt3A_225 = arith.cmpi sgt, %add3A_8, %gt3A_224 : i32
    %convert_element_type3A_226 = arith.extui %gt3A_225 : i1 to i32
    %cond3A_227 = arith.constant 0 : i32
    %cond3A_228 = arith.cmpi ne, %convert_element_type3A_226, %cond3A_227 : i32
    scf.if %cond3A_228 {
      %add3A_329 = arith.constant 8 : i32
      %add3A_330 = arith.addi %add3A_4, %add3A_329 : i32
      %mul3A_331 = arith.constant 128 : i32
      %mul3A_332 = arith.muli %add3A_330, %mul3A_331 : i32
      %dma_wait3A = arith.constant 8 : i32
      %dma_wait3A_333 = arith.constant 0 : i32
      %dma_wait3A_334 = tpu.memref_slice %arg7[%dma_wait3A, %dma_wait3A_333] : memref<25x128xi32, #tpu.memory_space<vmem>> -> memref<1x128xi32, #tpu.memory_space<vmem>>
      %dma_wait3A_335 = tpu.memref_squeeze %dma_wait3A_334 : memref<1x128xi32, #tpu.memory_space<vmem>> -> memref<128xi32, #tpu.memory_space<vmem>>
      %dma_wait3A_336 = tpu.memref_slice %arg3[%mul3A_332] : memref<100000xi32, #tpu.memory_space<hbm>> -> memref<128xi32, #tpu.memory_space<hbm>>
      %dma_wait3A_337 = arith.constant 0 : i32
      %dma_wait3A_338 = tpu.memref_slice %arg7[%dma_wait3A, %dma_wait3A_337] : memref<25x128xi32, #tpu.memory_space<vmem>> -> memref<1x128xi32, #tpu.memory_space<vmem>>
      %dma_wait3A_339 = tpu.memref_squeeze %dma_wait3A_338 : memref<1x128xi32, #tpu.memory_space<vmem>> -> memref<128xi32, #tpu.memory_space<vmem>>
      %dma_wait3A_340 = tpu.memref_slice %arg3[%mul3A_332] : memref<100000xi32, #tpu.memory_space<hbm>> -> memref<128xi32, #tpu.memory_space<hbm>>
      tpu.wait_dma2 semaphore(%arg15 : memref<!tpu.dma_semaphore, #tpu.memory_space<semaphore_mem>>) src(%dma_wait3A_340 : memref<128xi32, #tpu.memory_space<hbm>>) dst(%dma_wait3A_339 : memref<128xi32, #tpu.memory_space<vmem>>)
    } else {
    }
    %gt3A_229 = arith.constant 9 : i32
    %gt3A_230 = arith.cmpi sgt, %add3A_8, %gt3A_229 : i32
    %convert_element_type3A_231 = arith.extui %gt3A_230 : i1 to i32
    %cond3A_232 = arith.constant 0 : i32
    %cond3A_233 = arith.cmpi ne, %convert_element_type3A_231, %cond3A_232 : i32
    scf.if %cond3A_233 {
      %add3A_329 = arith.constant 9 : i32
      %add3A_330 = arith.addi %add3A_4, %add3A_329 : i32
      %mul3A_331 = arith.constant 128 : i32
      %mul3A_332 = arith.muli %add3A_330, %mul3A_331 : i32
      %dma_wait3A = arith.constant 9 : i32
      %dma_wait3A_333 = arith.constant 0 : i32
      %dma_wait3A_334 = tpu.memref_slice %arg7[%dma_wait3A, %dma_wait3A_333] : memref<25x128xi32, #tpu.memory_space<vmem>> -> memref<1x128xi32, #tpu.memory_space<vmem>>
      %dma_wait3A_335 = tpu.memref_squeeze %dma_wait3A_334 : memref<1x128xi32, #tpu.memory_space<vmem>> -> memref<128xi32, #tpu.memory_space<vmem>>
      %dma_wait3A_336 = tpu.memref_slice %arg3[%mul3A_332] : memref<100000xi32, #tpu.memory_space<hbm>> -> memref<128xi32, #tpu.memory_space<hbm>>
      %dma_wait3A_337 = arith.constant 0 : i32
      %dma_wait3A_338 = tpu.memref_slice %arg7[%dma_wait3A, %dma_wait3A_337] : memref<25x128xi32, #tpu.memory_space<vmem>> -> memref<1x128xi32, #tpu.memory_space<vmem>>
      %dma_wait3A_339 = tpu.memref_squeeze %dma_wait3A_338 : memref<1x128xi32, #tpu.memory_space<vmem>> -> memref<128xi32, #tpu.memory_space<vmem>>
      %dma_wait3A_340 = tpu.memref_slice %arg3[%mul3A_332] : memref<100000xi32, #tpu.memory_space<hbm>> -> memref<128xi32, #tpu.memory_space<hbm>>
      tpu.wait_dma2 semaphore(%arg15 : memref<!tpu.dma_semaphore, #tpu.memory_space<semaphore_mem>>) src(%dma_wait3A_340 : memref<128xi32, #tpu.memory_space<hbm>>) dst(%dma_wait3A_339 : memref<128xi32, #tpu.memory_space<vmem>>)
    } else {
    }
    %gt3A_234 = arith.constant 10 : i32
    %gt3A_235 = arith.cmpi sgt, %add3A_8, %gt3A_234 : i32
    %convert_element_type3A_236 = arith.extui %gt3A_235 : i1 to i32
    %cond3A_237 = arith.constant 0 : i32
    %cond3A_238 = arith.cmpi ne, %convert_element_type3A_236, %cond3A_237 : i32
    scf.if %cond3A_238 {
      %add3A_329 = arith.constant 10 : i32
      %add3A_330 = arith.addi %add3A_4, %add3A_329 : i32
      %mul3A_331 = arith.constant 128 : i32
      %mul3A_332 = arith.muli %add3A_330, %mul3A_331 : i32
      %dma_wait3A = arith.constant 10 : i32
      %dma_wait3A_333 = arith.constant 0 : i32
      %dma_wait3A_334 = tpu.memref_slice %arg7[%dma_wait3A, %dma_wait3A_333] : memref<25x128xi32, #tpu.memory_space<vmem>> -> memref<1x128xi32, #tpu.memory_space<vmem>>
      %dma_wait3A_335 = tpu.memref_squeeze %dma_wait3A_334 : memref<1x128xi32, #tpu.memory_space<vmem>> -> memref<128xi32, #tpu.memory_space<vmem>>
      %dma_wait3A_336 = tpu.memref_slice %arg3[%mul3A_332] : memref<100000xi32, #tpu.memory_space<hbm>> -> memref<128xi32, #tpu.memory_space<hbm>>
      %dma_wait3A_337 = arith.constant 0 : i32
      %dma_wait3A_338 = tpu.memref_slice %arg7[%dma_wait3A, %dma_wait3A_337] : memref<25x128xi32, #tpu.memory_space<vmem>> -> memref<1x128xi32, #tpu.memory_space<vmem>>
      %dma_wait3A_339 = tpu.memref_squeeze %dma_wait3A_338 : memref<1x128xi32, #tpu.memory_space<vmem>> -> memref<128xi32, #tpu.memory_space<vmem>>
      %dma_wait3A_340 = tpu.memref_slice %arg3[%mul3A_332] : memref<100000xi32, #tpu.memory_space<hbm>> -> memref<128xi32, #tpu.memory_space<hbm>>
      tpu.wait_dma2 semaphore(%arg15 : memref<!tpu.dma_semaphore, #tpu.memory_space<semaphore_mem>>) src(%dma_wait3A_340 : memref<128xi32, #tpu.memory_space<hbm>>) dst(%dma_wait3A_339 : memref<128xi32, #tpu.memory_space<vmem>>)
    } else {
    }
    %gt3A_239 = arith.constant 11 : i32
    %gt3A_240 = arith.cmpi sgt, %add3A_8, %gt3A_239 : i32
    %convert_element_type3A_241 = arith.extui %gt3A_240 : i1 to i32
    %cond3A_242 = arith.constant 0 : i32
    %cond3A_243 = arith.cmpi ne, %convert_element_type3A_241, %cond3A_242 : i32
    scf.if %cond3A_243 {
      %add3A_329 = arith.constant 11 : i32
      %add3A_330 = arith.addi %add3A_4, %add3A_329 : i32
      %mul3A_331 = arith.constant 128 : i32
      %mul3A_332 = arith.muli %add3A_330, %mul3A_331 : i32
      %dma_wait3A = arith.constant 11 : i32
      %dma_wait3A_333 = arith.constant 0 : i32
      %dma_wait3A_334 = tpu.memref_slice %arg7[%dma_wait3A, %dma_wait3A_333] : memref<25x128xi32, #tpu.memory_space<vmem>> -> memref<1x128xi32, #tpu.memory_space<vmem>>
      %dma_wait3A_335 = tpu.memref_squeeze %dma_wait3A_334 : memref<1x128xi32, #tpu.memory_space<vmem>> -> memref<128xi32, #tpu.memory_space<vmem>>
      %dma_wait3A_336 = tpu.memref_slice %arg3[%mul3A_332] : memref<100000xi32, #tpu.memory_space<hbm>> -> memref<128xi32, #tpu.memory_space<hbm>>
      %dma_wait3A_337 = arith.constant 0 : i32
      %dma_wait3A_338 = tpu.memref_slice %arg7[%dma_wait3A, %dma_wait3A_337] : memref<25x128xi32, #tpu.memory_space<vmem>> -> memref<1x128xi32, #tpu.memory_space<vmem>>
      %dma_wait3A_339 = tpu.memref_squeeze %dma_wait3A_338 : memref<1x128xi32, #tpu.memory_space<vmem>> -> memref<128xi32, #tpu.memory_space<vmem>>
      %dma_wait3A_340 = tpu.memref_slice %arg3[%mul3A_332] : memref<100000xi32, #tpu.memory_space<hbm>> -> memref<128xi32, #tpu.memory_space<hbm>>
      tpu.wait_dma2 semaphore(%arg15 : memref<!tpu.dma_semaphore, #tpu.memory_space<semaphore_mem>>) src(%dma_wait3A_340 : memref<128xi32, #tpu.memory_space<hbm>>) dst(%dma_wait3A_339 : memref<128xi32, #tpu.memory_space<vmem>>)
    } else {
    }
    %gt3A_244 = arith.constant 12 : i32
    %gt3A_245 = arith.cmpi sgt, %add3A_8, %gt3A_244 : i32
    %convert_element_type3A_246 = arith.extui %gt3A_245 : i1 to i32
    %cond3A_247 = arith.constant 0 : i32
    %cond3A_248 = arith.cmpi ne, %convert_element_type3A_246, %cond3A_247 : i32
    scf.if %cond3A_248 {
      %add3A_329 = arith.constant 12 : i32
      %add3A_330 = arith.addi %add3A_4, %add3A_329 : i32
      %mul3A_331 = arith.constant 128 : i32
      %mul3A_332 = arith.muli %add3A_330, %mul3A_331 : i32
      %dma_wait3A = arith.constant 12 : i32
      %dma_wait3A_333 = arith.constant 0 : i32
      %dma_wait3A_334 = tpu.memref_slice %arg7[%dma_wait3A, %dma_wait3A_333] : memref<25x128xi32, #tpu.memory_space<vmem>> -> memref<1x128xi32, #tpu.memory_space<vmem>>
      %dma_wait3A_335 = tpu.memref_squeeze %dma_wait3A_334 : memref<1x128xi32, #tpu.memory_space<vmem>> -> memref<128xi32, #tpu.memory_space<vmem>>
      %dma_wait3A_336 = tpu.memref_slice %arg3[%mul3A_332] : memref<100000xi32, #tpu.memory_space<hbm>> -> memref<128xi32, #tpu.memory_space<hbm>>
      %dma_wait3A_337 = arith.constant 0 : i32
      %dma_wait3A_338 = tpu.memref_slice %arg7[%dma_wait3A, %dma_wait3A_337] : memref<25x128xi32, #tpu.memory_space<vmem>> -> memref<1x128xi32, #tpu.memory_space<vmem>>
      %dma_wait3A_339 = tpu.memref_squeeze %dma_wait3A_338 : memref<1x128xi32, #tpu.memory_space<vmem>> -> memref<128xi32, #tpu.memory_space<vmem>>
      %dma_wait3A_340 = tpu.memref_slice %arg3[%mul3A_332] : memref<100000xi32, #tpu.memory_space<hbm>> -> memref<128xi32, #tpu.memory_space<hbm>>
      tpu.wait_dma2 semaphore(%arg15 : memref<!tpu.dma_semaphore, #tpu.memory_space<semaphore_mem>>) src(%dma_wait3A_340 : memref<128xi32, #tpu.memory_space<hbm>>) dst(%dma_wait3A_339 : memref<128xi32, #tpu.memory_space<vmem>>)
    } else {
    }
    %gt3A_249 = arith.constant 13 : i32
    %gt3A_250 = arith.cmpi sgt, %add3A_8, %gt3A_249 : i32
    %convert_element_type3A_251 = arith.extui %gt3A_250 : i1 to i32
    %cond3A_252 = arith.constant 0 : i32
    %cond3A_253 = arith.cmpi ne, %convert_element_type3A_251, %cond3A_252 : i32
    scf.if %cond3A_253 {
      %add3A_329 = arith.constant 13 : i32
      %add3A_330 = arith.addi %add3A_4, %add3A_329 : i32
      %mul3A_331 = arith.constant 128 : i32
      %mul3A_332 = arith.muli %add3A_330, %mul3A_331 : i32
      %dma_wait3A = arith.constant 13 : i32
      %dma_wait3A_333 = arith.constant 0 : i32
      %dma_wait3A_334 = tpu.memref_slice %arg7[%dma_wait3A, %dma_wait3A_333] : memref<25x128xi32, #tpu.memory_space<vmem>> -> memref<1x128xi32, #tpu.memory_space<vmem>>
      %dma_wait3A_335 = tpu.memref_squeeze %dma_wait3A_334 : memref<1x128xi32, #tpu.memory_space<vmem>> -> memref<128xi32, #tpu.memory_space<vmem>>
      %dma_wait3A_336 = tpu.memref_slice %arg3[%mul3A_332] : memref<100000xi32, #tpu.memory_space<hbm>> -> memref<128xi32, #tpu.memory_space<hbm>>
      %dma_wait3A_337 = arith.constant 0 : i32
      %dma_wait3A_338 = tpu.memref_slice %arg7[%dma_wait3A, %dma_wait3A_337] : memref<25x128xi32, #tpu.memory_space<vmem>> -> memref<1x128xi32, #tpu.memory_space<vmem>>
      %dma_wait3A_339 = tpu.memref_squeeze %dma_wait3A_338 : memref<1x128xi32, #tpu.memory_space<vmem>> -> memref<128xi32, #tpu.memory_space<vmem>>
      %dma_wait3A_340 = tpu.memref_slice %arg3[%mul3A_332] : memref<100000xi32, #tpu.memory_space<hbm>> -> memref<128xi32, #tpu.memory_space<hbm>>
      tpu.wait_dma2 semaphore(%arg15 : memref<!tpu.dma_semaphore, #tpu.memory_space<semaphore_mem>>) src(%dma_wait3A_340 : memref<128xi32, #tpu.memory_space<hbm>>) dst(%dma_wait3A_339 : memref<128xi32, #tpu.memory_space<vmem>>)
    } else {
    }
    %gt3A_254 = arith.constant 14 : i32
    %gt3A_255 = arith.cmpi sgt, %add3A_8, %gt3A_254 : i32
    %convert_element_type3A_256 = arith.extui %gt3A_255 : i1 to i32
    %cond3A_257 = arith.constant 0 : i32
    %cond3A_258 = arith.cmpi ne, %convert_element_type3A_256, %cond3A_257 : i32
    scf.if %cond3A_258 {
      %add3A_329 = arith.constant 14 : i32
      %add3A_330 = arith.addi %add3A_4, %add3A_329 : i32
      %mul3A_331 = arith.constant 128 : i32
      %mul3A_332 = arith.muli %add3A_330, %mul3A_331 : i32
      %dma_wait3A = arith.constant 14 : i32
      %dma_wait3A_333 = arith.constant 0 : i32
      %dma_wait3A_334 = tpu.memref_slice %arg7[%dma_wait3A, %dma_wait3A_333] : memref<25x128xi32, #tpu.memory_space<vmem>> -> memref<1x128xi32, #tpu.memory_space<vmem>>
      %dma_wait3A_335 = tpu.memref_squeeze %dma_wait3A_334 : memref<1x128xi32, #tpu.memory_space<vmem>> -> memref<128xi32, #tpu.memory_space<vmem>>
      %dma_wait3A_336 = tpu.memref_slice %arg3[%mul3A_332] : memref<100000xi32, #tpu.memory_space<hbm>> -> memref<128xi32, #tpu.memory_space<hbm>>
      %dma_wait3A_337 = arith.constant 0 : i32
      %dma_wait3A_338 = tpu.memref_slice %arg7[%dma_wait3A, %dma_wait3A_337] : memref<25x128xi32, #tpu.memory_space<vmem>> -> memref<1x128xi32, #tpu.memory_space<vmem>>
      %dma_wait3A_339 = tpu.memref_squeeze %dma_wait3A_338 : memref<1x128xi32, #tpu.memory_space<vmem>> -> memref<128xi32, #tpu.memory_space<vmem>>
      %dma_wait3A_340 = tpu.memref_slice %arg3[%mul3A_332] : memref<100000xi32, #tpu.memory_space<hbm>> -> memref<128xi32, #tpu.memory_space<hbm>>
      tpu.wait_dma2 semaphore(%arg15 : memref<!tpu.dma_semaphore, #tpu.memory_space<semaphore_mem>>) src(%dma_wait3A_340 : memref<128xi32, #tpu.memory_space<hbm>>) dst(%dma_wait3A_339 : memref<128xi32, #tpu.memory_space<vmem>>)
    } else {
    }
    %gt3A_259 = arith.constant 15 : i32
    %gt3A_260 = arith.cmpi sgt, %add3A_8, %gt3A_259 : i32
    %convert_element_type3A_261 = arith.extui %gt3A_260 : i1 to i32
    %cond3A_262 = arith.constant 0 : i32
    %cond3A_263 = arith.cmpi ne, %convert_element_type3A_261, %cond3A_262 : i32
    scf.if %cond3A_263 {
      %add3A_329 = arith.constant 15 : i32
      %add3A_330 = arith.addi %add3A_4, %add3A_329 : i32
      %mul3A_331 = arith.constant 128 : i32
      %mul3A_332 = arith.muli %add3A_330, %mul3A_331 : i32
      %dma_wait3A = arith.constant 15 : i32
      %dma_wait3A_333 = arith.constant 0 : i32
      %dma_wait3A_334 = tpu.memref_slice %arg7[%dma_wait3A, %dma_wait3A_333] : memref<25x128xi32, #tpu.memory_space<vmem>> -> memref<1x128xi32, #tpu.memory_space<vmem>>
      %dma_wait3A_335 = tpu.memref_squeeze %dma_wait3A_334 : memref<1x128xi32, #tpu.memory_space<vmem>> -> memref<128xi32, #tpu.memory_space<vmem>>
      %dma_wait3A_336 = tpu.memref_slice %arg3[%mul3A_332] : memref<100000xi32, #tpu.memory_space<hbm>> -> memref<128xi32, #tpu.memory_space<hbm>>
      %dma_wait3A_337 = arith.constant 0 : i32
      %dma_wait3A_338 = tpu.memref_slice %arg7[%dma_wait3A, %dma_wait3A_337] : memref<25x128xi32, #tpu.memory_space<vmem>> -> memref<1x128xi32, #tpu.memory_space<vmem>>
      %dma_wait3A_339 = tpu.memref_squeeze %dma_wait3A_338 : memref<1x128xi32, #tpu.memory_space<vmem>> -> memref<128xi32, #tpu.memory_space<vmem>>
      %dma_wait3A_340 = tpu.memref_slice %arg3[%mul3A_332] : memref<100000xi32, #tpu.memory_space<hbm>> -> memref<128xi32, #tpu.memory_space<hbm>>
      tpu.wait_dma2 semaphore(%arg15 : memref<!tpu.dma_semaphore, #tpu.memory_space<semaphore_mem>>) src(%dma_wait3A_340 : memref<128xi32, #tpu.memory_space<hbm>>) dst(%dma_wait3A_339 : memref<128xi32, #tpu.memory_space<vmem>>)
    } else {
    }
    %gt3A_264 = arith.constant 16 : i32
    %gt3A_265 = arith.cmpi sgt, %add3A_8, %gt3A_264 : i32
    %convert_element_type3A_266 = arith.extui %gt3A_265 : i1 to i32
    %cond3A_267 = arith.constant 0 : i32
    %cond3A_268 = arith.cmpi ne, %convert_element_type3A_266, %cond3A_267 : i32
    scf.if %cond3A_268 {
      %add3A_329 = arith.constant 16 : i32
      %add3A_330 = arith.addi %add3A_4, %add3A_329 : i32
      %mul3A_331 = arith.constant 128 : i32
      %mul3A_332 = arith.muli %add3A_330, %mul3A_331 : i32
      %dma_wait3A = arith.constant 16 : i32
      %dma_wait3A_333 = arith.constant 0 : i32
      %dma_wait3A_334 = tpu.memref_slice %arg7[%dma_wait3A, %dma_wait3A_333] : memref<25x128xi32, #tpu.memory_space<vmem>> -> memref<1x128xi32, #tpu.memory_space<vmem>>
      %dma_wait3A_335 = tpu.memref_squeeze %dma_wait3A_334 : memref<1x128xi32, #tpu.memory_space<vmem>> -> memref<128xi32, #tpu.memory_space<vmem>>
      %dma_wait3A_336 = tpu.memref_slice %arg3[%mul3A_332] : memref<100000xi32, #tpu.memory_space<hbm>> -> memref<128xi32, #tpu.memory_space<hbm>>
      %dma_wait3A_337 = arith.constant 0 : i32
      %dma_wait3A_338 = tpu.memref_slice %arg7[%dma_wait3A, %dma_wait3A_337] : memref<25x128xi32, #tpu.memory_space<vmem>> -> memref<1x128xi32, #tpu.memory_space<vmem>>
      %dma_wait3A_339 = tpu.memref_squeeze %dma_wait3A_338 : memref<1x128xi32, #tpu.memory_space<vmem>> -> memref<128xi32, #tpu.memory_space<vmem>>
      %dma_wait3A_340 = tpu.memref_slice %arg3[%mul3A_332] : memref<100000xi32, #tpu.memory_space<hbm>> -> memref<128xi32, #tpu.memory_space<hbm>>
      tpu.wait_dma2 semaphore(%arg15 : memref<!tpu.dma_semaphore, #tpu.memory_space<semaphore_mem>>) src(%dma_wait3A_340 : memref<128xi32, #tpu.memory_space<hbm>>) dst(%dma_wait3A_339 : memref<128xi32, #tpu.memory_space<vmem>>)
    } else {
    }
    %gt3A_269 = arith.constant 17 : i32
    %gt3A_270 = arith.cmpi sgt, %add3A_8, %gt3A_269 : i32
    %convert_element_type3A_271 = arith.extui %gt3A_270 : i1 to i32
    %cond3A_272 = arith.constant 0 : i32
    %cond3A_273 = arith.cmpi ne, %convert_element_type3A_271, %cond3A_272 : i32
    scf.if %cond3A_273 {
      %add3A_329 = arith.constant 17 : i32
      %add3A_330 = arith.addi %add3A_4, %add3A_329 : i32
      %mul3A_331 = arith.constant 128 : i32
      %mul3A_332 = arith.muli %add3A_330, %mul3A_331 : i32
      %dma_wait3A = arith.constant 17 : i32
      %dma_wait3A_333 = arith.constant 0 : i32
      %dma_wait3A_334 = tpu.memref_slice %arg7[%dma_wait3A, %dma_wait3A_333] : memref<25x128xi32, #tpu.memory_space<vmem>> -> memref<1x128xi32, #tpu.memory_space<vmem>>
      %dma_wait3A_335 = tpu.memref_squeeze %dma_wait3A_334 : memref<1x128xi32, #tpu.memory_space<vmem>> -> memref<128xi32, #tpu.memory_space<vmem>>
      %dma_wait3A_336 = tpu.memref_slice %arg3[%mul3A_332] : memref<100000xi32, #tpu.memory_space<hbm>> -> memref<128xi32, #tpu.memory_space<hbm>>
      %dma_wait3A_337 = arith.constant 0 : i32
      %dma_wait3A_338 = tpu.memref_slice %arg7[%dma_wait3A, %dma_wait3A_337] : memref<25x128xi32, #tpu.memory_space<vmem>> -> memref<1x128xi32, #tpu.memory_space<vmem>>
      %dma_wait3A_339 = tpu.memref_squeeze %dma_wait3A_338 : memref<1x128xi32, #tpu.memory_space<vmem>> -> memref<128xi32, #tpu.memory_space<vmem>>
      %dma_wait3A_340 = tpu.memref_slice %arg3[%mul3A_332] : memref<100000xi32, #tpu.memory_space<hbm>> -> memref<128xi32, #tpu.memory_space<hbm>>
      tpu.wait_dma2 semaphore(%arg15 : memref<!tpu.dma_semaphore, #tpu.memory_space<semaphore_mem>>) src(%dma_wait3A_340 : memref<128xi32, #tpu.memory_space<hbm>>) dst(%dma_wait3A_339 : memref<128xi32, #tpu.memory_space<vmem>>)
    } else {
    }
    %gt3A_274 = arith.constant 18 : i32
    %gt3A_275 = arith.cmpi sgt, %add3A_8, %gt3A_274 : i32
    %convert_element_type3A_276 = arith.extui %gt3A_275 : i1 to i32
    %cond3A_277 = arith.constant 0 : i32
    %cond3A_278 = arith.cmpi ne, %convert_element_type3A_276, %cond3A_277 : i32
    scf.if %cond3A_278 {
      %add3A_329 = arith.constant 18 : i32
      %add3A_330 = arith.addi %add3A_4, %add3A_329 : i32
      %mul3A_331 = arith.constant 128 : i32
      %mul3A_332 = arith.muli %add3A_330, %mul3A_331 : i32
      %dma_wait3A = arith.constant 18 : i32
      %dma_wait3A_333 = arith.constant 0 : i32
      %dma_wait3A_334 = tpu.memref_slice %arg7[%dma_wait3A, %dma_wait3A_333] : memref<25x128xi32, #tpu.memory_space<vmem>> -> memref<1x128xi32, #tpu.memory_space<vmem>>
      %dma_wait3A_335 = tpu.memref_squeeze %dma_wait3A_334 : memref<1x128xi32, #tpu.memory_space<vmem>> -> memref<128xi32, #tpu.memory_space<vmem>>
      %dma_wait3A_336 = tpu.memref_slice %arg3[%mul3A_332] : memref<100000xi32, #tpu.memory_space<hbm>> -> memref<128xi32, #tpu.memory_space<hbm>>
      %dma_wait3A_337 = arith.constant 0 : i32
      %dma_wait3A_338 = tpu.memref_slice %arg7[%dma_wait3A, %dma_wait3A_337] : memref<25x128xi32, #tpu.memory_space<vmem>> -> memref<1x128xi32, #tpu.memory_space<vmem>>
      %dma_wait3A_339 = tpu.memref_squeeze %dma_wait3A_338 : memref<1x128xi32, #tpu.memory_space<vmem>> -> memref<128xi32, #tpu.memory_space<vmem>>
      %dma_wait3A_340 = tpu.memref_slice %arg3[%mul3A_332] : memref<100000xi32, #tpu.memory_space<hbm>> -> memref<128xi32, #tpu.memory_space<hbm>>
      tpu.wait_dma2 semaphore(%arg15 : memref<!tpu.dma_semaphore, #tpu.memory_space<semaphore_mem>>) src(%dma_wait3A_340 : memref<128xi32, #tpu.memory_space<hbm>>) dst(%dma_wait3A_339 : memref<128xi32, #tpu.memory_space<vmem>>)
    } else {
    }
    %gt3A_279 = arith.constant 19 : i32
    %gt3A_280 = arith.cmpi sgt, %add3A_8, %gt3A_279 : i32
    %convert_element_type3A_281 = arith.extui %gt3A_280 : i1 to i32
    %cond3A_282 = arith.constant 0 : i32
    %cond3A_283 = arith.cmpi ne, %convert_element_type3A_281, %cond3A_282 : i32
    scf.if %cond3A_283 {
      %add3A_329 = arith.constant 19 : i32
      %add3A_330 = arith.addi %add3A_4, %add3A_329 : i32
      %mul3A_331 = arith.constant 128 : i32
      %mul3A_332 = arith.muli %add3A_330, %mul3A_331 : i32
      %dma_wait3A = arith.constant 19 : i32
      %dma_wait3A_333 = arith.constant 0 : i32
      %dma_wait3A_334 = tpu.memref_slice %arg7[%dma_wait3A, %dma_wait3A_333] : memref<25x128xi32, #tpu.memory_space<vmem>> -> memref<1x128xi32, #tpu.memory_space<vmem>>
      %dma_wait3A_335 = tpu.memref_squeeze %dma_wait3A_334 : memref<1x128xi32, #tpu.memory_space<vmem>> -> memref<128xi32, #tpu.memory_space<vmem>>
      %dma_wait3A_336 = tpu.memref_slice %arg3[%mul3A_332] : memref<100000xi32, #tpu.memory_space<hbm>> -> memref<128xi32, #tpu.memory_space<hbm>>
      %dma_wait3A_337 = arith.constant 0 : i32
      %dma_wait3A_338 = tpu.memref_slice %arg7[%dma_wait3A, %dma_wait3A_337] : memref<25x128xi32, #tpu.memory_space<vmem>> -> memref<1x128xi32, #tpu.memory_space<vmem>>
      %dma_wait3A_339 = tpu.memref_squeeze %dma_wait3A_338 : memref<1x128xi32, #tpu.memory_space<vmem>> -> memref<128xi32, #tpu.memory_space<vmem>>
      %dma_wait3A_340 = tpu.memref_slice %arg3[%mul3A_332] : memref<100000xi32, #tpu.memory_space<hbm>> -> memref<128xi32, #tpu.memory_space<hbm>>
      tpu.wait_dma2 semaphore(%arg15 : memref<!tpu.dma_semaphore, #tpu.memory_space<semaphore_mem>>) src(%dma_wait3A_340 : memref<128xi32, #tpu.memory_space<hbm>>) dst(%dma_wait3A_339 : memref<128xi32, #tpu.memory_space<vmem>>)
    } else {
    }
    %gt3A_284 = arith.constant 20 : i32
    %gt3A_285 = arith.cmpi sgt, %add3A_8, %gt3A_284 : i32
    %convert_element_type3A_286 = arith.extui %gt3A_285 : i1 to i32
    %cond3A_287 = arith.constant 0 : i32
    %cond3A_288 = arith.cmpi ne, %convert_element_type3A_286, %cond3A_287 : i32
    scf.if %cond3A_288 {
      %add3A_329 = arith.constant 20 : i32
      %add3A_330 = arith.addi %add3A_4, %add3A_329 : i32
      %mul3A_331 = arith.constant 128 : i32
      %mul3A_332 = arith.muli %add3A_330, %mul3A_331 : i32
      %dma_wait3A = arith.constant 20 : i32
      %dma_wait3A_333 = arith.constant 0 : i32
      %dma_wait3A_334 = tpu.memref_slice %arg7[%dma_wait3A, %dma_wait3A_333] : memref<25x128xi32, #tpu.memory_space<vmem>> -> memref<1x128xi32, #tpu.memory_space<vmem>>
      %dma_wait3A_335 = tpu.memref_squeeze %dma_wait3A_334 : memref<1x128xi32, #tpu.memory_space<vmem>> -> memref<128xi32, #tpu.memory_space<vmem>>
      %dma_wait3A_336 = tpu.memref_slice %arg3[%mul3A_332] : memref<100000xi32, #tpu.memory_space<hbm>> -> memref<128xi32, #tpu.memory_space<hbm>>
      %dma_wait3A_337 = arith.constant 0 : i32
      %dma_wait3A_338 = tpu.memref_slice %arg7[%dma_wait3A, %dma_wait3A_337] : memref<25x128xi32, #tpu.memory_space<vmem>> -> memref<1x128xi32, #tpu.memory_space<vmem>>
      %dma_wait3A_339 = tpu.memref_squeeze %dma_wait3A_338 : memref<1x128xi32, #tpu.memory_space<vmem>> -> memref<128xi32, #tpu.memory_space<vmem>>
      %dma_wait3A_340 = tpu.memref_slice %arg3[%mul3A_332] : memref<100000xi32, #tpu.memory_space<hbm>> -> memref<128xi32, #tpu.memory_space<hbm>>
      tpu.wait_dma2 semaphore(%arg15 : memref<!tpu.dma_semaphore, #tpu.memory_space<semaphore_mem>>) src(%dma_wait3A_340 : memref<128xi32, #tpu.memory_space<hbm>>) dst(%dma_wait3A_339 : memref<128xi32, #tpu.memory_space<vmem>>)
    } else {
    }
    %gt3A_289 = arith.constant 21 : i32
    %gt3A_290 = arith.cmpi sgt, %add3A_8, %gt3A_289 : i32
    %convert_element_type3A_291 = arith.extui %gt3A_290 : i1 to i32
    %cond3A_292 = arith.constant 0 : i32
    %cond3A_293 = arith.cmpi ne, %convert_element_type3A_291, %cond3A_292 : i32
    scf.if %cond3A_293 {
      %add3A_329 = arith.constant 21 : i32
      %add3A_330 = arith.addi %add3A_4, %add3A_329 : i32
      %mul3A_331 = arith.constant 128 : i32
      %mul3A_332 = arith.muli %add3A_330, %mul3A_331 : i32
      %dma_wait3A = arith.constant 21 : i32
      %dma_wait3A_333 = arith.constant 0 : i32
      %dma_wait3A_334 = tpu.memref_slice %arg7[%dma_wait3A, %dma_wait3A_333] : memref<25x128xi32, #tpu.memory_space<vmem>> -> memref<1x128xi32, #tpu.memory_space<vmem>>
      %dma_wait3A_335 = tpu.memref_squeeze %dma_wait3A_334 : memref<1x128xi32, #tpu.memory_space<vmem>> -> memref<128xi32, #tpu.memory_space<vmem>>
      %dma_wait3A_336 = tpu.memref_slice %arg3[%mul3A_332] : memref<100000xi32, #tpu.memory_space<hbm>> -> memref<128xi32, #tpu.memory_space<hbm>>
      %dma_wait3A_337 = arith.constant 0 : i32
      %dma_wait3A_338 = tpu.memref_slice %arg7[%dma_wait3A, %dma_wait3A_337] : memref<25x128xi32, #tpu.memory_space<vmem>> -> memref<1x128xi32, #tpu.memory_space<vmem>>
      %dma_wait3A_339 = tpu.memref_squeeze %dma_wait3A_338 : memref<1x128xi32, #tpu.memory_space<vmem>> -> memref<128xi32, #tpu.memory_space<vmem>>
      %dma_wait3A_340 = tpu.memref_slice %arg3[%mul3A_332] : memref<100000xi32, #tpu.memory_space<hbm>> -> memref<128xi32, #tpu.memory_space<hbm>>
      tpu.wait_dma2 semaphore(%arg15 : memref<!tpu.dma_semaphore, #tpu.memory_space<semaphore_mem>>) src(%dma_wait3A_340 : memref<128xi32, #tpu.memory_space<hbm>>) dst(%dma_wait3A_339 : memref<128xi32, #tpu.memory_space<vmem>>)
    } else {
    }
    %gt3A_294 = arith.constant 22 : i32
    %gt3A_295 = arith.cmpi sgt, %add3A_8, %gt3A_294 : i32
    %convert_element_type3A_296 = arith.extui %gt3A_295 : i1 to i32
    %cond3A_297 = arith.constant 0 : i32
    %cond3A_298 = arith.cmpi ne, %convert_element_type3A_296, %cond3A_297 : i32
    scf.if %cond3A_298 {
      %add3A_329 = arith.constant 22 : i32
      %add3A_330 = arith.addi %add3A_4, %add3A_329 : i32
      %mul3A_331 = arith.constant 128 : i32
      %mul3A_332 = arith.muli %add3A_330, %mul3A_331 : i32
      %dma_wait3A = arith.constant 22 : i32
      %dma_wait3A_333 = arith.constant 0 : i32
      %dma_wait3A_334 = tpu.memref_slice %arg7[%dma_wait3A, %dma_wait3A_333] : memref<25x128xi32, #tpu.memory_space<vmem>> -> memref<1x128xi32, #tpu.memory_space<vmem>>
      %dma_wait3A_335 = tpu.memref_squeeze %dma_wait3A_334 : memref<1x128xi32, #tpu.memory_space<vmem>> -> memref<128xi32, #tpu.memory_space<vmem>>
      %dma_wait3A_336 = tpu.memref_slice %arg3[%mul3A_332] : memref<100000xi32, #tpu.memory_space<hbm>> -> memref<128xi32, #tpu.memory_space<hbm>>
      %dma_wait3A_337 = arith.constant 0 : i32
      %dma_wait3A_338 = tpu.memref_slice %arg7[%dma_wait3A, %dma_wait3A_337] : memref<25x128xi32, #tpu.memory_space<vmem>> -> memref<1x128xi32, #tpu.memory_space<vmem>>
      %dma_wait3A_339 = tpu.memref_squeeze %dma_wait3A_338 : memref<1x128xi32, #tpu.memory_space<vmem>> -> memref<128xi32, #tpu.memory_space<vmem>>
      %dma_wait3A_340 = tpu.memref_slice %arg3[%mul3A_332] : memref<100000xi32, #tpu.memory_space<hbm>> -> memref<128xi32, #tpu.memory_space<hbm>>
      tpu.wait_dma2 semaphore(%arg15 : memref<!tpu.dma_semaphore, #tpu.memory_space<semaphore_mem>>) src(%dma_wait3A_340 : memref<128xi32, #tpu.memory_space<hbm>>) dst(%dma_wait3A_339 : memref<128xi32, #tpu.memory_space<vmem>>)
    } else {
    }
    %gt3A_299 = arith.constant 23 : i32
    %gt3A_300 = arith.cmpi sgt, %add3A_8, %gt3A_299 : i32
    %convert_element_type3A_301 = arith.extui %gt3A_300 : i1 to i32
    %cond3A_302 = arith.constant 0 : i32
    %cond3A_303 = arith.cmpi ne, %convert_element_type3A_301, %cond3A_302 : i32
    scf.if %cond3A_303 {
      %add3A_329 = arith.constant 23 : i32
      %add3A_330 = arith.addi %add3A_4, %add3A_329 : i32
      %mul3A_331 = arith.constant 128 : i32
      %mul3A_332 = arith.muli %add3A_330, %mul3A_331 : i32
      %dma_wait3A = arith.constant 23 : i32
      %dma_wait3A_333 = arith.constant 0 : i32
      %dma_wait3A_334 = tpu.memref_slice %arg7[%dma_wait3A, %dma_wait3A_333] : memref<25x128xi32, #tpu.memory_space<vmem>> -> memref<1x128xi32, #tpu.memory_space<vmem>>
      %dma_wait3A_335 = tpu.memref_squeeze %dma_wait3A_334 : memref<1x128xi32, #tpu.memory_space<vmem>> -> memref<128xi32, #tpu.memory_space<vmem>>
      %dma_wait3A_336 = tpu.memref_slice %arg3[%mul3A_332] : memref<100000xi32, #tpu.memory_space<hbm>> -> memref<128xi32, #tpu.memory_space<hbm>>
      %dma_wait3A_337 = arith.constant 0 : i32
      %dma_wait3A_338 = tpu.memref_slice %arg7[%dma_wait3A, %dma_wait3A_337] : memref<25x128xi32, #tpu.memory_space<vmem>> -> memref<1x128xi32, #tpu.memory_space<vmem>>
      %dma_wait3A_339 = tpu.memref_squeeze %dma_wait3A_338 : memref<1x128xi32, #tpu.memory_space<vmem>> -> memref<128xi32, #tpu.memory_space<vmem>>
      %dma_wait3A_340 = tpu.memref_slice %arg3[%mul3A_332] : memref<100000xi32, #tpu.memory_space<hbm>> -> memref<128xi32, #tpu.memory_space<hbm>>
      tpu.wait_dma2 semaphore(%arg15 : memref<!tpu.dma_semaphore, #tpu.memory_space<semaphore_mem>>) src(%dma_wait3A_340 : memref<128xi32, #tpu.memory_space<hbm>>) dst(%dma_wait3A_339 : memref<128xi32, #tpu.memory_space<vmem>>)
    } else {
    }
    %gt3A_304 = arith.constant 24 : i32
    %gt3A_305 = arith.cmpi sgt, %add3A_8, %gt3A_304 : i32
    %convert_element_type3A_306 = arith.extui %gt3A_305 : i1 to i32
    %cond3A_307 = arith.constant 0 : i32
    %cond3A_308 = arith.cmpi ne, %convert_element_type3A_306, %cond3A_307 : i32
    scf.if %cond3A_308 {
      %add3A_329 = arith.constant 24 : i32
      %add3A_330 = arith.addi %add3A_4, %add3A_329 : i32
      %mul3A_331 = arith.constant 128 : i32
      %mul3A_332 = arith.muli %add3A_330, %mul3A_331 : i32
      %dma_wait3A = arith.constant 24 : i32
      %dma_wait3A_333 = arith.constant 0 : i32
      %dma_wait3A_334 = tpu.memref_slice %arg7[%dma_wait3A, %dma_wait3A_333] : memref<25x128xi32, #tpu.memory_space<vmem>> -> memref<1x128xi32, #tpu.memory_space<vmem>>
      %dma_wait3A_335 = tpu.memref_squeeze %dma_wait3A_334 : memref<1x128xi32, #tpu.memory_space<vmem>> -> memref<128xi32, #tpu.memory_space<vmem>>
      %dma_wait3A_336 = tpu.memref_slice %arg3[%mul3A_332] : memref<100000xi32, #tpu.memory_space<hbm>> -> memref<128xi32, #tpu.memory_space<hbm>>
      %dma_wait3A_337 = arith.constant 0 : i32
      %dma_wait3A_338 = tpu.memref_slice %arg7[%dma_wait3A, %dma_wait3A_337] : memref<25x128xi32, #tpu.memory_space<vmem>> -> memref<1x128xi32, #tpu.memory_space<vmem>>
      %dma_wait3A_339 = tpu.memref_squeeze %dma_wait3A_338 : memref<1x128xi32, #tpu.memory_space<vmem>> -> memref<128xi32, #tpu.memory_space<vmem>>
      %dma_wait3A_340 = tpu.memref_slice %arg3[%mul3A_332] : memref<100000xi32, #tpu.memory_space<hbm>> -> memref<128xi32, #tpu.memory_space<hbm>>
      tpu.wait_dma2 semaphore(%arg15 : memref<!tpu.dma_semaphore, #tpu.memory_space<semaphore_mem>>) src(%dma_wait3A_340 : memref<128xi32, #tpu.memory_space<hbm>>) dst(%dma_wait3A_339 : memref<128xi32, #tpu.memory_space<vmem>>)
    } else {
    }
    %broadcast_in_dim3A_309 = arith.constant 1.000000e+00 : f32
    %broadcast_in_dim3A_310 = vector.broadcast %broadcast_in_dim3A_309 : f32 to vector<16xf32>
    %scan3A_311 = arith.constant 0 : i32
    %scan3A_312 = arith.constant 0 : i32
    %scan3A_313 = arith.constant 13 : i32
    %scan3A_314 = arith.addi %scan3A_312, %scan3A_313 : i32
    %scan3A_315 = arith.constant 1 : i32
    scf.for %scan3A_329 = %scan3A_312 to %scan3A_314 step %scan3A_315  : i32 {
      %mul3A_330 = arith.constant 2 : i32
      %mul3A_331 = arith.muli %mul3A_330, %scan3A_329 : i32
      %add3A_332 = arith.constant 0 : i32
      %add3A_333 = arith.addi %mul3A_331, %add3A_332 : i32
      %lt3A_334 = arith.cmpi slt, %add3A_333, %add3A_8 : i32
      %convert_element_type3A_335 = arith.extui %lt3A_334 : i1 to i32
      %cond3A_336 = arith.constant 0 : i32
      %cond3A_337 = arith.cmpi ne, %convert_element_type3A_335, %cond3A_336 : i32
      scf.if %cond3A_337 {
        %add3A_346 = arith.addi %add3A_4, %add3A_333 : i32
        %mul3A_347 = arith.constant 128 : i32
        %mul3A_348 = arith.muli %add3A_346, %mul3A_347 : i32
        %dma_wait3A = arith.constant 0 : i32
        %dma_wait3A_349 = arith.constant 0 : i32
        %dma_wait3A_350 = arith.constant 0 : i32
        %dma_wait3A_351 = arith.constant 0 : i32
        %dma_wait3A_352 = tpu.memref_slice %arg6[%dma_wait3A, %dma_wait3A_350, %dma_wait3A_351] : memref<2x128x128xf32, #tpu.memory_space<vmem>> -> memref<1x128x128xf32, #tpu.memory_space<vmem>>
        %dma_wait3A_353 = tpu.memref_squeeze %dma_wait3A_352 : memref<1x128x128xf32, #tpu.memory_space<vmem>> -> memref<128x128xf32, #tpu.memory_space<vmem>>
        %dma_wait3A_354 = arith.constant 0 : i32
        %dma_wait3A_355 = tpu.memref_slice %arg2[%mul3A_348, %dma_wait3A_354] : memref<100000x128xf32, #tpu.memory_space<hbm>> -> memref<128x128xf32, #tpu.memory_space<hbm>>
        %dma_wait3A_356 = tpu.memref_slice %arg13[%dma_wait3A_349] : memref<2x!tpu.dma_semaphore, #tpu.memory_space<semaphore_mem>> -> memref<1x!tpu.dma_semaphore, #tpu.memory_space<semaphore_mem>>
        %dma_wait3A_357 = tpu.memref_squeeze %dma_wait3A_356 : memref<1x!tpu.dma_semaphore, #tpu.memory_space<semaphore_mem>> -> memref<!tpu.dma_semaphore, #tpu.memory_space<semaphore_mem>>
        %dma_wait3A_358 = arith.constant 0 : i32
        %dma_wait3A_359 = arith.constant 0 : i32
        %dma_wait3A_360 = tpu.memref_slice %arg6[%dma_wait3A, %dma_wait3A_358, %dma_wait3A_359] : memref<2x128x128xf32, #tpu.memory_space<vmem>> -> memref<1x128x128xf32, #tpu.memory_space<vmem>>
        %dma_wait3A_361 = tpu.memref_squeeze %dma_wait3A_360 : memref<1x128x128xf32, #tpu.memory_space<vmem>> -> memref<128x128xf32, #tpu.memory_space<vmem>>
        %dma_wait3A_362 = arith.constant 0 : i32
        %dma_wait3A_363 = tpu.memref_slice %arg2[%mul3A_348, %dma_wait3A_362] : memref<100000x128xf32, #tpu.memory_space<hbm>> -> memref<128x128xf32, #tpu.memory_space<hbm>>
        tpu.wait_dma2 semaphore(%dma_wait3A_357 : memref<!tpu.dma_semaphore, #tpu.memory_space<semaphore_mem>>) src(%dma_wait3A_363 : memref<128x128xf32, #tpu.memory_space<hbm>>) dst(%dma_wait3A_361 : memref<128x128xf32, #tpu.memory_space<vmem>>)
        %dma_start3A_364 = arith.constant 0 : i32
        %dma_start3A_365 = arith.constant 0 : i32
        %dma_start3A_366 = arith.constant 0 : i32
        %dma_start3A_367 = tpu.memref_slice %arg6[%dma_start3A_364, %dma_start3A_365, %dma_start3A_366] : memref<2x128x128xf32, #tpu.memory_space<vmem>> -> memref<1x128x128xf32, #tpu.memory_space<vmem>>
        %dma_start3A_368 = tpu.memref_squeeze %dma_start3A_367 : memref<1x128x128xf32, #tpu.memory_space<vmem>> -> memref<128x128xf32, #tpu.memory_space<vmem>>
        %dma_start3A_369 = arith.constant 0 : i32
        %dma_start3A_370 = tpu.memref_slice %arg7[%add3A_333, %dma_start3A_369] : memref<25x128xi32, #tpu.memory_space<vmem>> -> memref<1x128xi32, #tpu.memory_space<vmem>>
        %dma_start3A_371 = tpu.memref_squeeze %dma_start3A_370 : memref<1x128xi32, #tpu.memory_space<vmem>> -> memref<128xi32, #tpu.memory_space<vmem>>
        %dma_start3A_372 = arith.constant 0 : i32
        %dma_start3A_373 = arith.constant 0 : i32
        %dma_start3A_374 = tpu.memref_slice %arg12[%dma_start3A_372, %dma_start3A_373] : memref<512x128xf32, #tpu.memory_space<vmem_shared>> -> memref<512x128xf32, #tpu.memory_space<vmem_shared>>
        tpu.enqueue_indirect_dma source(%dma_start3A_368 : memref<128x128xf32, #tpu.memory_space<vmem>>) target(%dma_start3A_374 : memref<512x128xf32, #tpu.memory_space<vmem_shared>>) offsets(%dma_start3A_371 : memref<128xi32, #tpu.memory_space<vmem>>) semaphore(%arg14 : memref<!tpu.dma_semaphore, #tpu.memory_space<semaphore_mem>>) {add = true}
        %scan3A_375 = arith.constant 0 : i32
        %scan3A_376 = arith.constant 0 : i32
        %scan3A_377 = arith.constant 8 : i32
        %scan3A_378 = arith.addi %scan3A_376, %scan3A_377 : i32
        %scan3A_379 = arith.constant 1 : i32
        scf.for %scan3A_398 = %scan3A_376 to %scan3A_378 step %scan3A_379  : i32 {
          %mul3A_399 = arith.constant 16 : i32
          %mul3A_400 = arith.muli %scan3A_398, %mul3A_399 : i32
          %get3A = arith.index_cast %add3A_333 : i32 to index
          %get3A_401 = arith.index_cast %mul3A_400 : i32 to index
          %get3A_402 = tpu.vector_load %arg7[%get3A, %get3A_401] {strides = array<i32>} : memref<25x128xi32, #tpu.memory_space<vmem>>, vector<16xi32>,
          tpu.vector_store_idx %arg10[%get3A_402], %broadcast_in_dim3A_310 {add = true} : memref<512xf32, #tpu.memory_space<vmem>>[vector<16xi32>], vector<16xf32>,
        }
        %scan3A_380 = arith.constant 8 : i32
        %dma_wait3A_381 = arith.constant 0 : i32
        %dma_wait3A_382 = arith.constant 0 : i32
        %dma_wait3A_383 = arith.constant 0 : i32
        %dma_wait3A_384 = tpu.memref_slice %arg6[%dma_wait3A_381, %dma_wait3A_382, %dma_wait3A_383] : memref<2x128x128xf32, #tpu.memory_space<vmem>> -> memref<1x128x128xf32, #tpu.memory_space<vmem>>
        %dma_wait3A_385 = tpu.memref_squeeze %dma_wait3A_384 : memref<1x128x128xf32, #tpu.memory_space<vmem>> -> memref<128x128xf32, #tpu.memory_space<vmem>>
        %dma_wait3A_386 = arith.constant 0 : i32
        %dma_wait3A_387 = tpu.memref_slice %arg7[%add3A_333, %dma_wait3A_386] : memref<25x128xi32, #tpu.memory_space<vmem>> -> memref<1x128xi32, #tpu.memory_space<vmem>>
        %dma_wait3A_388 = tpu.memref_squeeze %dma_wait3A_387 : memref<1x128xi32, #tpu.memory_space<vmem>> -> memref<128xi32, #tpu.memory_space<vmem>>
        %dma_wait3A_389 = arith.constant 0 : i32
        %dma_wait3A_390 = arith.constant 0 : i32
        %dma_wait3A_391 = tpu.memref_slice %arg12[%dma_wait3A_389, %dma_wait3A_390] : memref<512x128xf32, #tpu.memory_space<vmem_shared>> -> memref<512x128xf32, #tpu.memory_space<vmem_shared>>
        tpu.wait_indirect_dma semaphore(%arg14 : memref<!tpu.dma_semaphore, #tpu.memory_space<semaphore_mem>>) src(%dma_wait3A_385 : memref<128x128xf32, #tpu.memory_space<vmem>>) dst(%dma_wait3A_391 : memref<512x128xf32, #tpu.memory_space<vmem_shared>>)
        %add3A_392 = arith.constant 2 : i32
        %add3A_393 = arith.addi %add3A_333, %add3A_392 : i32
        %lt3A_394 = arith.cmpi slt, %add3A_393, %add3A_8 : i32
        %convert_element_type3A_395 = arith.extui %lt3A_394 : i1 to i32
        %cond3A_396 = arith.constant 0 : i32
        %cond3A_397 = arith.cmpi ne, %convert_element_type3A_395, %cond3A_396 : i32
        scf.if %cond3A_397 {
          %add3A_398 = arith.addi %add3A_4, %add3A_333 : i32
          %add3A_399 = arith.constant 2 : i32
          %add3A_400 = arith.addi %add3A_398, %add3A_399 : i32
          %mul3A_401 = arith.constant 128 : i32
          %mul3A_402 = arith.muli %add3A_400, %mul3A_401 : i32
          %dma_start3A_403 = arith.constant 0 : i32
          %dma_start3A_404 = arith.constant 0 : i32
          %dma_start3A_405 = arith.constant 0 : i32
          %dma_start3A_406 = arith.constant 0 : i32
          %dma_start3A_407 = tpu.memref_slice %arg6[%dma_start3A_403, %dma_start3A_405, %dma_start3A_406] : memref<2x128x128xf32, #tpu.memory_space<vmem>> -> memref<1x128x128xf32, #tpu.memory_space<vmem>>
          %dma_start3A_408 = tpu.memref_squeeze %dma_start3A_407 : memref<1x128x128xf32, #tpu.memory_space<vmem>> -> memref<128x128xf32, #tpu.memory_space<vmem>>
          %dma_start3A_409 = arith.constant 0 : i32
          %dma_start3A_410 = tpu.memref_slice %arg2[%mul3A_402, %dma_start3A_409] : memref<100000x128xf32, #tpu.memory_space<hbm>> -> memref<128x128xf32, #tpu.memory_space<hbm>>
          %dma_start3A_411 = tpu.memref_slice %arg13[%dma_start3A_404] : memref<2x!tpu.dma_semaphore, #tpu.memory_space<semaphore_mem>> -> memref<1x!tpu.dma_semaphore, #tpu.memory_space<semaphore_mem>>
          %dma_start3A_412 = tpu.memref_squeeze %dma_start3A_411 : memref<1x!tpu.dma_semaphore, #tpu.memory_space<semaphore_mem>> -> memref<!tpu.dma_semaphore, #tpu.memory_space<semaphore_mem>>
          %dma_start3A_413 = arith.constant 0 : i32
          %dma_start3A_414 = arith.constant 0 : i32
          %dma_start3A_415 = tpu.memref_slice %arg6[%dma_start3A_403, %dma_start3A_413, %dma_start3A_414] : memref<2x128x128xf32, #tpu.memory_space<vmem>> -> memref<1x128x128xf32, #tpu.memory_space<vmem>>
          %dma_start3A_416 = tpu.memref_squeeze %dma_start3A_415 : memref<1x128x128xf32, #tpu.memory_space<vmem>> -> memref<128x128xf32, #tpu.memory_space<vmem>>
          %dma_start3A_417 = arith.constant 0 : i32
          %dma_start3A_418 = tpu.memref_slice %arg2[%mul3A_402, %dma_start3A_417] : memref<100000x128xf32, #tpu.memory_space<hbm>> -> memref<128x128xf32, #tpu.memory_space<hbm>>
          tpu.enqueue_dma source(%dma_start3A_418 : memref<128x128xf32, #tpu.memory_space<hbm>>) target(%dma_start3A_416 : memref<128x128xf32, #tpu.memory_space<vmem>>) target_semaphore(%dma_start3A_412 : memref<!tpu.dma_semaphore, #tpu.memory_space<semaphore_mem>>)
        } else {
        }
      } else {
      }
      %mul3A_338 = arith.constant 2 : i32
      %mul3A_339 = arith.muli %mul3A_338, %scan3A_329 : i32
      %add3A_340 = arith.constant 1 : i32
      %add3A_341 = arith.addi %mul3A_339, %add3A_340 : i32
      %lt3A_342 = arith.cmpi slt, %add3A_341, %add3A_8 : i32
      %convert_element_type3A_343 = arith.extui %lt3A_342 : i1 to i32
      %cond3A_344 = arith.constant 0 : i32
      %cond3A_345 = arith.cmpi ne, %convert_element_type3A_343, %cond3A_344 : i32
      scf.if %cond3A_345 {
        %add3A_346 = arith.addi %add3A_4, %add3A_341 : i32
        %mul3A_347 = arith.constant 128 : i32
        %mul3A_348 = arith.muli %add3A_346, %mul3A_347 : i32
        %dma_wait3A = arith.constant 1 : i32
        %dma_wait3A_349 = arith.constant 1 : i32
        %dma_wait3A_350 = arith.constant 0 : i32
        %dma_wait3A_351 = arith.constant 0 : i32
        %dma_wait3A_352 = tpu.memref_slice %arg6[%dma_wait3A, %dma_wait3A_350, %dma_wait3A_351] : memref<2x128x128xf32, #tpu.memory_space<vmem>> -> memref<1x128x128xf32, #tpu.memory_space<vmem>>
        %dma_wait3A_353 = tpu.memref_squeeze %dma_wait3A_352 : memref<1x128x128xf32, #tpu.memory_space<vmem>> -> memref<128x128xf32, #tpu.memory_space<vmem>>
        %dma_wait3A_354 = arith.constant 0 : i32
        %dma_wait3A_355 = tpu.memref_slice %arg2[%mul3A_348, %dma_wait3A_354] : memref<100000x128xf32, #tpu.memory_space<hbm>> -> memref<128x128xf32, #tpu.memory_space<hbm>>
        %dma_wait3A_356 = tpu.memref_slice %arg13[%dma_wait3A_349] : memref<2x!tpu.dma_semaphore, #tpu.memory_space<semaphore_mem>> -> memref<1x!tpu.dma_semaphore, #tpu.memory_space<semaphore_mem>>
        %dma_wait3A_357 = tpu.memref_squeeze %dma_wait3A_356 : memref<1x!tpu.dma_semaphore, #tpu.memory_space<semaphore_mem>> -> memref<!tpu.dma_semaphore, #tpu.memory_space<semaphore_mem>>
        %dma_wait3A_358 = arith.constant 0 : i32
        %dma_wait3A_359 = arith.constant 0 : i32
        %dma_wait3A_360 = tpu.memref_slice %arg6[%dma_wait3A, %dma_wait3A_358, %dma_wait3A_359] : memref<2x128x128xf32, #tpu.memory_space<vmem>> -> memref<1x128x128xf32, #tpu.memory_space<vmem>>
        %dma_wait3A_361 = tpu.memref_squeeze %dma_wait3A_360 : memref<1x128x128xf32, #tpu.memory_space<vmem>> -> memref<128x128xf32, #tpu.memory_space<vmem>>
        %dma_wait3A_362 = arith.constant 0 : i32
        %dma_wait3A_363 = tpu.memref_slice %arg2[%mul3A_348, %dma_wait3A_362] : memref<100000x128xf32, #tpu.memory_space<hbm>> -> memref<128x128xf32, #tpu.memory_space<hbm>>
        tpu.wait_dma2 semaphore(%dma_wait3A_357 : memref<!tpu.dma_semaphore, #tpu.memory_space<semaphore_mem>>) src(%dma_wait3A_363 : memref<128x128xf32, #tpu.memory_space<hbm>>) dst(%dma_wait3A_361 : memref<128x128xf32, #tpu.memory_space<vmem>>)
        %dma_start3A_364 = arith.constant 1 : i32
        %dma_start3A_365 = arith.constant 0 : i32
        %dma_start3A_366 = arith.constant 0 : i32
        %dma_start3A_367 = tpu.memref_slice %arg6[%dma_start3A_364, %dma_start3A_365, %dma_start3A_366] : memref<2x128x128xf32, #tpu.memory_space<vmem>> -> memref<1x128x128xf32, #tpu.memory_space<vmem>>
        %dma_start3A_368 = tpu.memref_squeeze %dma_start3A_367 : memref<1x128x128xf32, #tpu.memory_space<vmem>> -> memref<128x128xf32, #tpu.memory_space<vmem>>
        %dma_start3A_369 = arith.constant 0 : i32
        %dma_start3A_370 = tpu.memref_slice %arg7[%add3A_341, %dma_start3A_369] : memref<25x128xi32, #tpu.memory_space<vmem>> -> memref<1x128xi32, #tpu.memory_space<vmem>>
        %dma_start3A_371 = tpu.memref_squeeze %dma_start3A_370 : memref<1x128xi32, #tpu.memory_space<vmem>> -> memref<128xi32, #tpu.memory_space<vmem>>
        %dma_start3A_372 = arith.constant 0 : i32
        %dma_start3A_373 = arith.constant 0 : i32
        %dma_start3A_374 = tpu.memref_slice %arg12[%dma_start3A_372, %dma_start3A_373] : memref<512x128xf32, #tpu.memory_space<vmem_shared>> -> memref<512x128xf32, #tpu.memory_space<vmem_shared>>
        tpu.enqueue_indirect_dma source(%dma_start3A_368 : memref<128x128xf32, #tpu.memory_space<vmem>>) target(%dma_start3A_374 : memref<512x128xf32, #tpu.memory_space<vmem_shared>>) offsets(%dma_start3A_371 : memref<128xi32, #tpu.memory_space<vmem>>) semaphore(%arg14 : memref<!tpu.dma_semaphore, #tpu.memory_space<semaphore_mem>>) {add = true}
        %scan3A_375 = arith.constant 0 : i32
        %scan3A_376 = arith.constant 0 : i32
        %scan3A_377 = arith.constant 8 : i32
        %scan3A_378 = arith.addi %scan3A_376, %scan3A_377 : i32
        %scan3A_379 = arith.constant 1 : i32
        scf.for %scan3A_398 = %scan3A_376 to %scan3A_378 step %scan3A_379  : i32 {
          %mul3A_399 = arith.constant 16 : i32
          %mul3A_400 = arith.muli %scan3A_398, %mul3A_399 : i32
          %get3A = arith.index_cast %add3A_341 : i32 to index
          %get3A_401 = arith.index_cast %mul3A_400 : i32 to index
          %get3A_402 = tpu.vector_load %arg7[%get3A, %get3A_401] {strides = array<i32>} : memref<25x128xi32, #tpu.memory_space<vmem>>, vector<16xi32>,
          tpu.vector_store_idx %arg10[%get3A_402], %broadcast_in_dim3A_310 {add = true} : memref<512xf32, #tpu.memory_space<vmem>>[vector<16xi32>], vector<16xf32>,
        }
        %scan3A_380 = arith.constant 8 : i32
        %dma_wait3A_381 = arith.constant 1 : i32
        %dma_wait3A_382 = arith.constant 0 : i32
        %dma_wait3A_383 = arith.constant 0 : i32
        %dma_wait3A_384 = tpu.memref_slice %arg6[%dma_wait3A_381, %dma_wait3A_382, %dma_wait3A_383] : memref<2x128x128xf32, #tpu.memory_space<vmem>> -> memref<1x128x128xf32, #tpu.memory_space<vmem>>
        %dma_wait3A_385 = tpu.memref_squeeze %dma_wait3A_384 : memref<1x128x128xf32, #tpu.memory_space<vmem>> -> memref<128x128xf32, #tpu.memory_space<vmem>>
        %dma_wait3A_386 = arith.constant 0 : i32
        %dma_wait3A_387 = tpu.memref_slice %arg7[%add3A_341, %dma_wait3A_386] : memref<25x128xi32, #tpu.memory_space<vmem>> -> memref<1x128xi32, #tpu.memory_space<vmem>>
        %dma_wait3A_388 = tpu.memref_squeeze %dma_wait3A_387 : memref<1x128xi32, #tpu.memory_space<vmem>> -> memref<128xi32, #tpu.memory_space<vmem>>
        %dma_wait3A_389 = arith.constant 0 : i32
        %dma_wait3A_390 = arith.constant 0 : i32
        %dma_wait3A_391 = tpu.memref_slice %arg12[%dma_wait3A_389, %dma_wait3A_390] : memref<512x128xf32, #tpu.memory_space<vmem_shared>> -> memref<512x128xf32, #tpu.memory_space<vmem_shared>>
        tpu.wait_indirect_dma semaphore(%arg14 : memref<!tpu.dma_semaphore, #tpu.memory_space<semaphore_mem>>) src(%dma_wait3A_385 : memref<128x128xf32, #tpu.memory_space<vmem>>) dst(%dma_wait3A_391 : memref<512x128xf32, #tpu.memory_space<vmem_shared>>)
        %add3A_392 = arith.constant 2 : i32
        %add3A_393 = arith.addi %add3A_341, %add3A_392 : i32
        %lt3A_394 = arith.cmpi slt, %add3A_393, %add3A_8 : i32
        %convert_element_type3A_395 = arith.extui %lt3A_394 : i1 to i32
        %cond3A_396 = arith.constant 0 : i32
        %cond3A_397 = arith.cmpi ne, %convert_element_type3A_395, %cond3A_396 : i32
        scf.if %cond3A_397 {
          %add3A_398 = arith.addi %add3A_4, %add3A_341 : i32
          %add3A_399 = arith.constant 2 : i32
          %add3A_400 = arith.addi %add3A_398, %add3A_399 : i32
          %mul3A_401 = arith.constant 128 : i32
          %mul3A_402 = arith.muli %add3A_400, %mul3A_401 : i32
          %dma_start3A_403 = arith.constant 1 : i32
          %dma_start3A_404 = arith.constant 1 : i32
          %dma_start3A_405 = arith.constant 0 : i32
          %dma_start3A_406 = arith.constant 0 : i32
          %dma_start3A_407 = tpu.memref_slice %arg6[%dma_start3A_403, %dma_start3A_405, %dma_start3A_406] : memref<2x128x128xf32, #tpu.memory_space<vmem>> -> memref<1x128x128xf32, #tpu.memory_space<vmem>>
          %dma_start3A_408 = tpu.memref_squeeze %dma_start3A_407 : memref<1x128x128xf32, #tpu.memory_space<vmem>> -> memref<128x128xf32, #tpu.memory_space<vmem>>
          %dma_start3A_409 = arith.constant 0 : i32
          %dma_start3A_410 = tpu.memref_slice %arg2[%mul3A_402, %dma_start3A_409] : memref<100000x128xf32, #tpu.memory_space<hbm>> -> memref<128x128xf32, #tpu.memory_space<hbm>>
          %dma_start3A_411 = tpu.memref_slice %arg13[%dma_start3A_404] : memref<2x!tpu.dma_semaphore, #tpu.memory_space<semaphore_mem>> -> memref<1x!tpu.dma_semaphore, #tpu.memory_space<semaphore_mem>>
          %dma_start3A_412 = tpu.memref_squeeze %dma_start3A_411 : memref<1x!tpu.dma_semaphore, #tpu.memory_space<semaphore_mem>> -> memref<!tpu.dma_semaphore, #tpu.memory_space<semaphore_mem>>
          %dma_start3A_413 = arith.constant 0 : i32
          %dma_start3A_414 = arith.constant 0 : i32
          %dma_start3A_415 = tpu.memref_slice %arg6[%dma_start3A_403, %dma_start3A_413, %dma_start3A_414] : memref<2x128x128xf32, #tpu.memory_space<vmem>> -> memref<1x128x128xf32, #tpu.memory_space<vmem>>
          %dma_start3A_416 = tpu.memref_squeeze %dma_start3A_415 : memref<1x128x128xf32, #tpu.memory_space<vmem>> -> memref<128x128xf32, #tpu.memory_space<vmem>>
          %dma_start3A_417 = arith.constant 0 : i32
          %dma_start3A_418 = tpu.memref_slice %arg2[%mul3A_402, %dma_start3A_417] : memref<100000x128xf32, #tpu.memory_space<hbm>> -> memref<128x128xf32, #tpu.memory_space<hbm>>
          tpu.enqueue_dma source(%dma_start3A_418 : memref<128x128xf32, #tpu.memory_space<hbm>>) target(%dma_start3A_416 : memref<128x128xf32, #tpu.memory_space<vmem>>) target_semaphore(%dma_start3A_412 : memref<!tpu.dma_semaphore, #tpu.memory_space<semaphore_mem>>)
        } else {
        }
      } else {
      }
    }
    %scan3A_316 = arith.constant 13 : i32
    %eq3A = arith.constant 31 : i32
    %eq3A_317 = arith.cmpi eq, %add3A, %eq3A : i32
    %convert_element_type3A_318 = arith.extui %eq3A_317 : i1 to i32
    %cond3A_319 = arith.constant 0 : i32
    %cond3A_320 = arith.cmpi ne, %convert_element_type3A_318, %cond3A_319 : i32
    scf.if %cond3A_320 {
      "tpu.region"() ({
        %run_scoped3A = tpu.sem_alloc : memref<!tpu.dma_semaphore, #tpu.memory_space<semaphore_mem>>
        %dma_start3A_335 = arith.constant 99968 : i32
        %dma_start3A_336 = tpu.memref_slice %arg3[%dma_start3A_335] : memref<100000xi32, #tpu.memory_space<hbm>> -> memref<32xi32, #tpu.memory_space<hbm>>
        %dma_start3A_337 = arith.constant 99968 : i32
        %dma_start3A_338 = tpu.memref_slice %arg3[%dma_start3A_337] : memref<100000xi32, #tpu.memory_space<hbm>> -> memref<32xi32, #tpu.memory_space<hbm>>
        tpu.enqueue_dma source(%dma_start3A_338 : memref<32xi32, #tpu.memory_space<hbm>>) target(%arg9 : memref<32xi32, #tpu.memory_space<vmem>>) target_semaphore(%run_scoped3A : memref<!tpu.dma_semaphore, #tpu.memory_space<semaphore_mem>>)
        %dma_wait3A = arith.constant 99968 : i32
        %dma_wait3A_339 = tpu.memref_slice %arg3[%dma_wait3A] : memref<100000xi32, #tpu.memory_space<hbm>> -> memref<32xi32, #tpu.memory_space<hbm>>
        %dma_wait3A_340 = arith.constant 99968 : i32
        %dma_wait3A_341 = tpu.memref_slice %arg3[%dma_wait3A_340] : memref<100000xi32, #tpu.memory_space<hbm>> -> memref<32xi32, #tpu.memory_space<hbm>>
        tpu.wait_dma2 semaphore(%run_scoped3A : memref<!tpu.dma_semaphore, #tpu.memory_space<semaphore_mem>>) src(%dma_wait3A_341 : memref<32xi32, #tpu.memory_space<hbm>>) dst(%arg9 : memref<32xi32, #tpu.memory_space<vmem>>)
        tpu.yield
      }) : () -> ()
      "tpu.region"() ({
        %run_scoped3A = tpu.sem_alloc : memref<!tpu.dma_semaphore, #tpu.memory_space<semaphore_mem>>
        %dma_start3A_335 = arith.constant 99968 : i32
        %dma_start3A_336 = arith.constant 0 : i32
        %dma_start3A_337 = tpu.memref_slice %arg2[%dma_start3A_335, %dma_start3A_336] : memref<100000x128xf32, #tpu.memory_space<hbm>> -> memref<32x128xf32, #tpu.memory_space<hbm>>
        %dma_start3A_338 = arith.constant 99968 : i32
        %dma_start3A_339 = arith.constant 0 : i32
        %dma_start3A_340 = tpu.memref_slice %arg2[%dma_start3A_338, %dma_start3A_339] : memref<100000x128xf32, #tpu.memory_space<hbm>> -> memref<32x128xf32, #tpu.memory_space<hbm>>
        tpu.enqueue_dma source(%dma_start3A_340 : memref<32x128xf32, #tpu.memory_space<hbm>>) target(%arg8 : memref<32x128xf32, #tpu.memory_space<vmem>>) target_semaphore(%run_scoped3A : memref<!tpu.dma_semaphore, #tpu.memory_space<semaphore_mem>>)
        %dma_wait3A = arith.constant 99968 : i32
        %dma_wait3A_341 = arith.constant 0 : i32
        %dma_wait3A_342 = tpu.memref_slice %arg2[%dma_wait3A, %dma_wait3A_341] : memref<100000x128xf32, #tpu.memory_space<hbm>> -> memref<32x128xf32, #tpu.memory_space<hbm>>
        %dma_wait3A_343 = arith.constant 99968 : i32
        %dma_wait3A_344 = arith.constant 0 : i32
        %dma_wait3A_345 = tpu.memref_slice %arg2[%dma_wait3A_343, %dma_wait3A_344] : memref<100000x128xf32, #tpu.memory_space<hbm>> -> memref<32x128xf32, #tpu.memory_space<hbm>>
        tpu.wait_dma2 semaphore(%run_scoped3A : memref<!tpu.dma_semaphore, #tpu.memory_space<semaphore_mem>>) src(%dma_wait3A_345 : memref<32x128xf32, #tpu.memory_space<hbm>>) dst(%arg8 : memref<32x128xf32, #tpu.memory_space<vmem>>)
        tpu.yield
      }) : () -> ()
      "tpu.region"() ({
        %run_scoped3A = tpu.sem_alloc : memref<!tpu.dma_semaphore, #tpu.memory_space<semaphore_mem>>
        %dma_start3A_335 = arith.constant 0 : i32
        %dma_start3A_336 = arith.constant 0 : i32
        %dma_start3A_337 = tpu.memref_slice %arg12[%dma_start3A_335, %dma_start3A_336] : memref<512x128xf32, #tpu.memory_space<vmem_shared>> -> memref<512x128xf32, #tpu.memory_space<vmem_shared>>
        tpu.enqueue_indirect_dma source(%arg8 : memref<32x128xf32, #tpu.memory_space<vmem>>) target(%dma_start3A_337 : memref<512x128xf32, #tpu.memory_space<vmem_shared>>) offsets(%arg9 : memref<32xi32, #tpu.memory_space<vmem>>) semaphore(%run_scoped3A : memref<!tpu.dma_semaphore, #tpu.memory_space<semaphore_mem>>) {add = true}
        %dma_wait3A = arith.constant 0 : i32
        %dma_wait3A_338 = arith.constant 0 : i32
        %dma_wait3A_339 = tpu.memref_slice %arg12[%dma_wait3A, %dma_wait3A_338] : memref<512x128xf32, #tpu.memory_space<vmem_shared>> -> memref<512x128xf32, #tpu.memory_space<vmem_shared>>
        tpu.wait_indirect_dma semaphore(%run_scoped3A : memref<!tpu.dma_semaphore, #tpu.memory_space<semaphore_mem>>) src(%arg8 : memref<32x128xf32, #tpu.memory_space<vmem>>) dst(%dma_wait3A_339 : memref<512x128xf32, #tpu.memory_space<vmem_shared>>)
        tpu.yield
      }) : () -> ()
      %scan3A_329 = arith.constant 0 : i32
      %scan3A_330 = arith.constant 0 : i32
      %scan3A_331 = arith.constant 2 : i32
      %scan3A_332 = arith.addi %scan3A_330, %scan3A_331 : i32
      %scan3A_333 = arith.constant 1 : i32
      scf.for %scan3A_335 = %scan3A_330 to %scan3A_332 step %scan3A_333  : i32 {
        %mul3A_336 = arith.constant 16 : i32
        %mul3A_337 = arith.muli %scan3A_335, %mul3A_336 : i32
        %get3A = arith.index_cast %mul3A_337 : i32 to index
        %get3A_338 = tpu.vector_load %arg9[%get3A] {strides = array<i32>} : memref<32xi32, #tpu.memory_space<vmem>>, vector<16xi32>,
        tpu.vector_store_idx %arg10[%get3A_338], %broadcast_in_dim3A_310 {add = true} : memref<512xf32, #tpu.memory_space<vmem>>[vector<16xi32>], vector<16xf32>,
      }
      %scan3A_334 = arith.constant 2 : i32
    } else {
    }
    "tpu.region"() ({
      %run_scoped3A = tpu.sem_alloc : memref<!tpu.dma_semaphore, #tpu.memory_space<semaphore_mem>>
      %dma_start3A_329 = arith.constant 0 : i32
      %dma_start3A_330 = tpu.memref_slice %arg5[%add3A, %dma_start3A_329] : memref<32x512xf32, #tpu.memory_space<hbm>> -> memref<1x512xf32, #tpu.memory_space<hbm>>
      %dma_start3A_331 = tpu.memref_squeeze %dma_start3A_330 : memref<1x512xf32, #tpu.memory_space<hbm>> -> memref<512xf32, #tpu.memory_space<hbm>>
      %dma_start3A_332 = arith.constant 0 : i32
      %dma_start3A_333 = tpu.memref_slice %arg5[%add3A, %dma_start3A_332] : memref<32x512xf32, #tpu.memory_space<hbm>> -> memref<1x512xf32, #tpu.memory_space<hbm>>
      %dma_start3A_334 = tpu.memref_squeeze %dma_start3A_333 : memref<1x512xf32, #tpu.memory_space<hbm>> -> memref<512xf32, #tpu.memory_space<hbm>>
      tpu.enqueue_dma source(%arg10 : memref<512xf32, #tpu.memory_space<vmem>>) target(%dma_start3A_334 : memref<512xf32, #tpu.memory_space<hbm>>) target_semaphore(%run_scoped3A : memref<!tpu.dma_semaphore, #tpu.memory_space<semaphore_mem>>)
      %dma_wait3A = arith.constant 0 : i32
      %dma_wait3A_335 = tpu.memref_slice %arg5[%add3A, %dma_wait3A] : memref<32x512xf32, #tpu.memory_space<hbm>> -> memref<1x512xf32, #tpu.memory_space<hbm>>
      %dma_wait3A_336 = tpu.memref_squeeze %dma_wait3A_335 : memref<1x512xf32, #tpu.memory_space<hbm>> -> memref<512xf32, #tpu.memory_space<hbm>>
      %dma_wait3A_337 = arith.constant 0 : i32
      %dma_wait3A_338 = tpu.memref_slice %arg5[%add3A, %dma_wait3A_337] : memref<32x512xf32, #tpu.memory_space<hbm>> -> memref<1x512xf32, #tpu.memory_space<hbm>>
      %dma_wait3A_339 = tpu.memref_squeeze %dma_wait3A_338 : memref<1x512xf32, #tpu.memory_space<hbm>> -> memref<512xf32, #tpu.memory_space<hbm>>
      tpu.wait_dma2 semaphore(%run_scoped3A : memref<!tpu.dma_semaphore, #tpu.memory_space<semaphore_mem>>) src(%arg10 : memref<512xf32, #tpu.memory_space<vmem>>) dst(%dma_wait3A_339 : memref<512xf32, #tpu.memory_space<hbm>>)
      tpu.yield
    }) : () -> ()
    %barrier3A_321 = arith.constant 0 : index
    tpu.barrier barrier_id(%barrier3A_321)
    %mul3A_322 = arith.constant 32 : i32
    %mul3A_323 = arith.muli %arg1, %mul3A_322 : i32
    %mul3A_324 = arith.constant 512 : i32
    %mul3A_325 = arith.muli %arg0, %mul3A_324 : i32
    %mul3A_326 = arith.constant 32 : i32
    %mul3A_327 = arith.muli %arg1, %mul3A_326 : i32
    %add3A_328 = arith.addi %mul3A_325, %mul3A_327 : i32
    "tpu.region"() ({
      %run_scoped3A = tpu.sem_alloc : memref<!tpu.dma_semaphore, #tpu.memory_space<semaphore_mem>>
      %dma_start3A_329 = arith.constant 0 : i32
      %dma_start3A_330 = tpu.memref_slice %arg4[%add3A_328, %dma_start3A_329] : memref<1024x128xf32, #tpu.memory_space<hbm>> -> memref<32x128xf32, #tpu.memory_space<hbm>>
      %dma_start3A_331 = arith.constant 0 : i32
      %dma_start3A_332 = tpu.memref_slice %arg12[%mul3A_323, %dma_start3A_331] : memref<512x128xf32, #tpu.memory_space<vmem_shared>> -> memref<32x128xf32, #tpu.memory_space<vmem_shared>>
      tpu.enqueue_dma source(%dma_start3A_332 : memref<32x128xf32, #tpu.memory_space<vmem_shared>>) target(%dma_start3A_330 : memref<32x128xf32, #tpu.memory_space<hbm>>) target_semaphore(%run_scoped3A : memref<!tpu.dma_semaphore, #tpu.memory_space<semaphore_mem>>)
      %dma_wait3A = arith.constant 0 : i32
      %dma_wait3A_333 = tpu.memref_slice %arg4[%add3A_328, %dma_wait3A] : memref<1024x128xf32, #tpu.memory_space<hbm>> -> memref<32x128xf32, #tpu.memory_space<hbm>>
      %dma_wait3A_334 = arith.constant 0 : i32
      %dma_wait3A_335 = tpu.memref_slice %arg12[%mul3A_323, %dma_wait3A_334] : memref<512x128xf32, #tpu.memory_space<vmem_shared>> -> memref<32x128xf32, #tpu.memory_space<vmem_shared>>
      tpu.wait_dma2 semaphore(%run_scoped3A : memref<!tpu.dma_semaphore, #tpu.memory_space<semaphore_mem>>) src(%dma_wait3A_335 : memref<32x128xf32, #tpu.memory_space<vmem_shared>>) dst(%dma_wait3A_333 : memref<32x128xf32, #tpu.memory_space<hbm>>)
      tpu.yield
    }) : () -> ()
    return
  }
}

module attributes {stable_mosaic.version = 14 : i64} {
  func.func @body(%arg0: memref<1024x128xf32, #tpu.memory_space<vmem>>, %arg1: memref<32x512xf32, #tpu.memory_space<vmem>>, %arg2: memref<512x128xf32, #tpu.memory_space<vmem>>) attributes {dimension_semantics = [], scalar_prefetch = 0 : i64, scratch_operands = 0 : i64, tpu.core_type = #tpu.core_type<tc>} {
    %get3A = arith.constant 0 : index
    %get3A_0 = arith.constant 0 : index
    %get3A_1 = vector.load %arg0[%get3A, %get3A_0] : memref<1024x128xf32, #tpu.memory_space<vmem>>, vector<512x128xf32>
    %get3A_2 = arith.constant 512 : index
    %get3A_3 = arith.constant 0 : index
    %get3A_4 = vector.load %arg0[%get3A_2, %get3A_3] : memref<1024x128xf32, #tpu.memory_space<vmem>>, vector<512x128xf32>
    %add3A = arith.addf %get3A_1, %get3A_4 : vector<512x128xf32>
    %get3A_5 = arith.constant 0 : index
    %get3A_6 = arith.constant 0 : index
    %get3A_7 = vector.load %arg1[%get3A_5, %get3A_6] : memref<32x512xf32, #tpu.memory_space<vmem>>, vector<32x512xf32>
    %reduce_sum3A = arith.constant dense<0.000000e+00> : vector<512xf32>
    %reduce_sum3A_8 = vector.multi_reduction <add>, %get3A_7, %reduce_sum3A [0] : vector<32x512xf32> to vector<512xf32>
    %max3A = arith.constant 1.000000e+00 : f32
    %max3A_9 = vector.broadcast %max3A : f32 to vector<512xf32>
    %max3A_10 = arith.maximumf %reduce_sum3A_8, %max3A_9 : vector<512xf32>
    %broadcast_in_dim3A = vector.shape_cast %max3A_10 : vector<512xf32> to vector<512x1xf32>
    %div3A = vector.broadcast %broadcast_in_dim3A : vector<512x1xf32> to vector<512x128xf32>
    %div3A_11 = arith.divf %add3A, %div3A : vector<512x128xf32>
    %swap3A = arith.constant 0 : index
    %swap3A_12 = arith.constant 0 : index
    %swap3A_13 = vector.load %arg2[%swap3A, %swap3A_12] : memref<512x128xf32, #tpu.memory_space<vmem>>, vector<512x128xf32>
    tpu.vector_store %arg2[%swap3A, %swap3A_12], %div3A_11 {strides = array<i32>} : memref<512x128xf32, #tpu.memory_space<vmem>>, vector<512x128xf32>,
    return
  }
}

</mosaic_0001>

<sc_bundles>
// kernel: kernel.4.cloned.1.call-start
scs
__scs_entry_jumppad:
0x0: {  	(pc) =	sbr.rel $0x88, $3  }
0x1: {  	(tag) =	ssettag $0x0;
	lr =	simm.s32 $0x1  }
0x2: {  	[smem:$0x3F9F] =	sst lr;
	_ =	strace $0xD0000000  }
0x3: {  	_ = 	snop  }
0x4: {  	_ = 	snop  }
0x5: {  	_ = 	snop  }
0x6: {  	_ = 	snop  }
0x7: {  	_ = 	snop  }
__scs_overlays_trampoline_lowered:
0x8: {  	[smem:$0x3FAE] =	sst s0  }
0x9: {  	[smem:$0x3FAF] =	sst s1  }
0xa: {  	[smem:$0x3FB0] =	sst s2  }
0xb: {  	[smem:$0x3FB1] =	sst s3  }
0xc: {  	[smem:$0x3FB2] =	sst s4  }
0xd: {  	[smem:$0x3FB3] =	sst s5  }
0xe: {  	[smem:$0x3FB4] =	sst s6  }
0xf: {  	[smem:$0x3FB5] =	sst s7  }
0x10: {  	[smem:$0x3FB6] =	sst s8  }
0x11: {  	[smem:$0x3FB7] =	sst s9;
	s0 =	simm.s32 @!p0 $0x0  }
0x12: {  	s1 =	sld [smem:$0x3F9D];
	s0 =	simm.s32 @p0 $0x1  }
0x13: {  	[smem:$0x3FB8] =	sst s0;
	s0 =	simm.s32 @!p1 $0x0  }
0x14: {  	s2 =	sld [smem:$0x3F9C];
	s0 =	simm.s32 @p1 $0x1  }
0x15: {  	[smem:$0x3FB9] =	sst s0;
	s0 =	simm.s32 @!p2 $0x0  }
0x16: {  	s3 =	sld [smem:$0x3FDB];
	s0 =	simm.s32 @p2 $0x1  }
0x17: {  	s4 =	simm.s32 $0x1BF5;
	[smem:$0x3FBB] =	sst s0  }
0x18: {  	s0 =	sld [smem:$0x3F9E];
	_ =	swait.ge [sflag:s4], $0x0  }
0x19: {  	s7 =	sld [smem:$0x3F9F]  }
0x1a: {  	s8 =	sadd.s32 $0xFFFFE003, lr  }
0x1b: {  	s9 =	sadd.s32 $0xFFFFFEF7, lr;
	s5 =	simm.s32 $0xFFFFFFFF;
	p2 =	slt.u32 s8, $0xFFFFF086  }
0x1c: {  	p1 =	slt.u32 s9, $0xF7A;
	s5 =	simm.s32 @!p2 $0x0  }
0x1d: {  	s5 =	simm.s32 @p1 $0x1;
	p0 =	seq.s32 s7, s2  }
0x1e: {  	s7 =	smul.u32 @!p0 $0xF7A, s2;
	p2 =	seq.s32 @!p0 s5, $0x0  }
0x1f: {  	s9 =	smul.u32 $0xF7A, s1;
	s8 =	simm.s32 @!p0 $0x1BF5;
	p2 =	por !p2, p0  }
0x20: {  	[sflag:s8] =	ssyncset.s32 @!p0 $0xFFFFF086;
	s6 =	sadd.s32 @!p0 s3, s7;
	s7 =	simm.s32 @!p0 $0x108  }
0x21: {  	s3 =	sadd.s32 s3, s9;
	s6 =	sadd.s32 @!p0 $0x88, s6;
	s7 =	simm.s32 @p2 $0x1082  }
0x22: {  	[simem:s7], [sflag:s8] =	dma.local @!p0 [hbm:s6], $0xF7A  }
0x23: {  	s9 =	sor.u32 $0xD0000000, s2;
	s6 =	simm.s32 $0x108;
	_ =	swait.ge @!p0 [sflag:s8], $0x0  }
0x24: {  	s3 =	sadd.s32 $0x88, s3;
	s6 =	simm.s32 @!p1 $0x1082;
	[sflag:s4] =	ssyncset.s32 $0xFFFFF086  }
0x25: {  	[simem:s6], [sflag:s4] =	dma.local [hbm:s3], $0xF7A  }
0x26: {  	[smem:$0x3F9F] =	sst s1;
	(tag) =	ssettag s2;
	_ =	strace s9  }
0x27: {  	s1 =	sld [smem:$0x3FAF]  }
0x28: {  	s2 =	sld [smem:$0x3FB0]  }
0x29: {  	s4 =	sld [smem:$0x3FB2]  }
0x2a: {  	p0 =	seq.s32 s5, $0x0;
	s5 =	sld [smem:$0x3FB3]  }
0x2b: {  	s6 =	sld [smem:$0x3FB4]  }
0x2c: {  	s7 =	sld [smem:$0x3FB5]  }
0x2d: {  	s3 =	simm.s32 $0x108;
	s8 =	sld [smem:$0x3FB6]  }
0x2e: {  	s3 =	simm.s32 @!p0 $0x1082;
	s9 =	sld [smem:$0x3FB7]  }
0x2f: {  	lr =	sadd.s32 s0, s3;
	s0 =	sld [smem:$0x3FAE]  }
0x30: {  	s3 =	sld [smem:$0x3FB1]  }
0x31: {  	[smem:$0x3FBA] =	sst s10  }
0x32: {  	s10 =	sld [smem:$0x3FB8];
	_ =	sdelay $0x3  }
0x33: {  	p0 =	seq.s32 s10, $0x1;
	s10 =	sld [smem:$0x3FBA];
	_ =	sdelay $0x3  }
0x34: {  	[smem:$0x3FBA] =	sst s10  }
0x35: {  	s10 =	sld [smem:$0x3FB9];
	_ =	sdelay $0x3  }
0x36: {  	p1 =	seq.s32 s10, $0x1;
	s10 =	sld [smem:$0x3FBA];
	_ =	sdelay $0x3  }
0x37: {  	[smem:$0x3FBA] =	sst s10  }
0x38: {  	s10 =	sld [smem:$0x3FBB]  }
0x39: {  	_ = 	snop;
	(pc) =	sbr.ind lr, $3  }
0x3a: {  	_ = 	snop  }
0x3b: {  	_ = 	snop  }
0x3c: {  	p2 =	seq.s32 s10, $0x1;
	s10 =	sld [smem:$0x3FBA]  }
0x3d: {  	_ =	shalt  }
0x3e: {  	_ =	shalt  }
0x3f: {  	_ =	shalt  }
0x40: {  	_ =	shalt  }
0x41: {  	_ =	shalt  }
0x42: {  	_ =	shalt  }
0x43: {  	_ =	shalt  }
0x44: {  	_ =	shalt  }
0x45: {  	_ =	shalt  }
0x46: {  	_ =	shalt  }
0x47: {  	_ =	shalt  }
0x48: {  	_ =	shalt  }
0x49: {  	_ =	shalt  }
0x4a: {  	_ =	shalt  }
0x4b: {  	_ =	shalt  }
0x4c: {  	_ =	shalt  }
0x4d: {  	_ =	shalt  }
0x4e: {  	_ =	shalt  }
0x4f: {  	_ =	shalt  }
0x50: {  	_ =	shalt  }
0x51: {  	_ =	shalt  }
0x52: {  	_ =	shalt  }
0x53: {  	_ =	shalt  }
0x54: {  	_ =	shalt  }
0x55: {  	_ =	shalt  }
0x56: {  	_ =	shalt  }
0x57: {  	_ =	shalt  }
0x58: {  	_ =	shalt  }
0x59: {  	_ =	shalt  }
0x5a: {  	_ =	shalt  }
0x5b: {  	_ =	shalt  }
0x5c: {  	_ =	shalt  }
0x5d: {  	_ =	shalt  }
0x5e: {  	_ =	shalt  }
0x5f: {  	_ =	shalt  }
0x60: {  	_ =	shalt  }
0x61: {  	_ =	shalt  }
0x62: {  	_ =	shalt  }
0x63: {  	_ =	shalt  }
0x64: {  	_ =	shalt  }
0x65: {  	_ =	shalt  }
0x66: {  	_ =	shalt  }
0x67: {  	_ =	shalt  }
0x68: {  	_ =	shalt  }
0x69: {  	_ =	shalt  }
0x6a: {  	_ =	shalt  }
0x6b: {  	_ =	shalt  }
0x6c: {  	_ =	shalt  }
0x6d: {  	_ =	shalt  }
0x6e: {  	_ =	shalt  }
0x6f: {  	_ =	shalt  }
0x70: {  	_ =	shalt  }
0x71: {  	_ =	shalt  }
0x72: {  	_ =	shalt  }
0x73: {  	_ =	shalt  }
0x74: {  	_ =	shalt  }
0x75: {  	_ =	shalt  }
0x76: {  	_ =	shalt  }
0x77: {  	_ =	shalt  }
0x78: {  	_ =	shalt  }
0x79: {  	_ =	shalt  }
0x7a: {  	_ =	shalt  }
0x7b: {  	_ =	shalt  }
0x7c: {  	_ =	shalt  }
0x7d: {  	_ =	shalt  }
0x7e: {  	_ =	shalt  }
0x7f: {  	_ =	shalt  }
0x80: {  	_ =	shalt  }
0x81: {  	_ =	shalt  }
0x82: {  	_ =	shalt  }
0x83: {  	_ =	shalt  }
0x84: {  	_ =	shalt  }
0x85: {  	_ =	shalt  }
0x86: {  	_ =	shalt  }
0x87: {  	_ =	shalt  }
.Lfunc_end0:
.L_simem_size_0:
called_computation_lowered:
.L_overlay_start_0:
0x88: {  	s2 =	sld [smem:$0x3FD9]  }
0x89: {  	s3 =	sld [smem:$0x3FFE];
	_ =	sdelay $0x1  }
0x8a: {  	s1 =	srdreg.scid  }
0x8b: {  	s0 =	sand.u32 $0x1, s1  }
0x8c: {  	s17 =	sshll.u32 s0, $0xA;
	s2 =	sadd.s32 s3, s2  }
0x8d: {  	s2 =	sadd.s32 s2, s17  }
0x8e: {  	[smem:$0x3FC6] =	sst s2  }
0x8f: {  	_ = 	snop  }
0x90: {  	s2 =	sld [smem:$0x3FC9]  }
0x91: {  	s18 =	sld [smem:$0x3FC8]  }
0x92: {  	s4 =	sld [smem:$0x3FD0];
	(tm) =	ssettm $0x1  }
0x93: {  	s5 =	sld [smem:$0x3FFB];
	_ =	sdelay $0x3  }
0x94: {  	_ =	strace s5  }
0x95: {  	s5 =	sld [smem:$0x3FFC];
	_ =	sdelay $0x3  }
0x96: {  	_ =	strace s5  }
0x97: {  	s5 =	sld [smem:$0x3FFD];
	_ =	sdelay $0x3  }
0x98: {  	_ =	strace s5  }
0x99: {  	_ =	strace $0x8FFFFFFF  }
0x9a: {  	s19 =	sld [smem:$0x3FDB];
	_ =	sdelay $0x1  }
0x9b: {  	s6 =	simm.s32 $_scs_section_size  }
0x9c: {  	s7 =	simm.s32 $_size__tile_overlayer_lowered;
	s8 =	simm.s32 $_tile_overlayer_lowered  }
0x9d: {  	s22 =	simm.s32 $0x1BFF;
	s21 =	sshll.u32 s8, $0x1;
	s5 =	sadd.s32 s6, s19  }
0x9e: {  	s9 =	simm.s32 $0x0;
	s20 =	sshll.u32 s7, $0x1;
	s7 =	sadd.s32 s21, s5  }
0x9f: {  	[timem:s9], [sflag:s22] =	dma.local [hbm:s7], s20  }
0xa0: {  	_ =	swait.ge [sflag:s22], s20  }
0xa1: {  	s6 =	ssub.s32 $0x0, s20;
	[sflag:s22] =	ssyncset.done $0x0  }
0xa2: {  	[sflag:s22] =	ssyncadd.s32 s6;
	_ =	sdelay $0x1  }
0xa3: {  	s23 =	simm.s32 $0x1B8B  }
0xa4: {  	_ =	swait.ge [sflag:s23], $0x1  }
0xa5: {  	[sflag:s23] =	ssyncset.done $0x0  }
0xa6: {  	s25 =	simm.s32 $0x1B8E;
	s24 =	sld [smem:$0x3FFE];
	[sflag:s23] =	ssyncadd.s32 $0xFFFFFFFF  }
0xa7: {  	s26 =	simm.s32 $execute0_lowered;
	[smem:$0x3FD2] =	sst s25  }
0xa8: {  	s7 =	sshll.u32 s26, $0x1;
	_ =	strace $0x80000046;
	[dreg:$0x1] =	wrdreg $0xFFFFFFFF  }
0xa9: {  	s28 =	simm.s32 $_size_execute0_lowered;
	s5 =	sadd.s32 s5, s7;
	[dreg:$0x0] =	wrdreg $0x0  }
0xaa: {  	s7 =	sshll.u32 s28, $0x1;
	[dreg:$0x2] =	wrdreg s5  }
0xab: {  	[dreg:$0x3] =	wrdreg s7  }
0xac: {  	[dreg:$0x4] =	wrdreg $0xC0  }
0xad: {  	_ =	task [dreg:s9], $0x5FFFF  }
0xae: {  	[dreg:$0x1] =	wrdreg $0xFFFFFFFF  }
0xaf: {  	[dreg:$0x0] =	wrdreg $0x60  }
0xb0: {  	[dreg:$0x2] =	wrdreg s2  }
0xb1: {  	[dreg:$0x3] =	wrdreg s18  }
0xb2: {  	[dreg:$0x4] =	wrdreg s24  }
0xb3: {  	[dreg:$0x5] =	wrdreg s4  }
0xb4: {  	[dreg:$0x6] =	wrdreg $0xAEA00  }
0xb5: {  	[dreg:$0x7] =	wrdreg $0x9  }
0xb6: {  	_ =	task.clear_ibuf [dreg:s9], $0x8FFFF;
	_ =	strace $0x90000046  }
0xb7: {  	s29 =	simm.s32 $0x9;
	_ =	strace $0x80000048  }
0xb8: {  	_ =	swait.ge [sflag:s29], $0x1  }
0xb9: {  	[sflag:s29] =	ssyncadd.s32 $0xFFFFFFFF  }
0xba: {  	_ =	strace $0x90000048  }
0xbb: {  	_ =	sfence  }
0xbc: {  	s30 =	sld [smem:$0x0];
	_ =	sdelay $0x2  }
0xbd: {  	s31 =	sshll.u32 s1, $0xD;
	s1 =	sshrl.u32 s1, $0x2  }
0xbe: {  	s3 =	sand.u32 $0x4000, s31;
	s1 =	sadd.s32 s1, s30  }
0xbf: {  	s0 =	sor.u32 s3, s0;
	s1 =	sshll.u32 s1, $0x11  }
0xc0: {  	s0 =	sor.u32 s1, s0  }
0xc1: {  	s0 =	sadd.s32 $0x8F2B, s0  }
0xc2: {  	[sflag:s0] =	ssyncadd.remote.s32 $0x1  }
0xc3: {  	_ =	sfence.sel $0xFFFF  }
0xc4: {  	[dreg:$0x0] =	wrdreg $0xFFFFFFFF;
	(pc) =	sbr.abs _section_cstart, $3  }
0xc5: {  	[dreg:$0x1] =	wrdreg $0xFFFFFFFF  }
0xc6: {  	_ =	task.clear_ibuf [dreg:s9], $0x2FFFF;
	_ =	strace $0x9FFFFFFF  }
0xc7: {  	(tm) =	ssettm $0x7FFFFFFF  }
tec
execute0_lowered:
.L_overlay_start_1:
0x0: {  	(tag) =	ssettag $0x1  }
0x1: {  	s0 =	rddreg [dreg:$0x0]  }
0x2: {  	s1 =	rddreg [dreg:$0x1]  }
0x3: {  	s4 =	rddreg [dreg:$0x2]  }
0x4: {  	s6 =	rddreg [dreg:$0x3]  }
0x5: {  	s16 =	stileid.u32;
	s3 =	srdreg.scid  }
0x6: {  	s2 =	rddreg [dreg:$0x4];
	s7 =	sand.u32 $0x1, s3;
	s5 =	sshll.u32 s16, $0x1  }
0x7: {  	s3 =	simm.s32 $0x0;
	s11 =	sshll.u32 s16, $0x9;
	s25 =	smul.u32 $0x18000, s16  }
0x8: {  	s8 =	sor.u32 s7, s5;
	[smem:$0x7FF] =	sst s3;
	s9 =	ssub.s32 $0x2, s7  }
0x9: {  	s11 =	sadd.s32 s11, s4;
	s4 =	simm.s32 $0x19;
	s15 =	smul.u32 $0xC000, s7  }
0xa: {  	s7 =	sshll.u32 s7, $0xD;
	s5 =	smul.u32 $0x18, s8;
	_ =	strace $0x80000047  }
0xb: {  	s10 =	smin.u32 s8, $0xD;
	s12 =	sshrl.u32 s9, $0x1;
	p0 =	slt.u32 s8, $0xD  }
0xc: {  	s26 =	sshll.u32 s8, $0x6;
	p1 =	sne.s32 s8, $0x1F;
	s13 =	sadd.s32 s10, s5  }
0xd: {  	s9 =	ssub.s32 s9, s12;
	s6 =	sadd.s32 s6, s26;
	s5 =	sshll.u32 s13, $0x4  }
0xe: {  	[dreg:$0xe] =	wrdreg s6;
	s5 =	sadd.s32 s1, s5;
	s1 =	sadd.s32 $0x30D0, s1  }
0xf: {  	s4 =	simm.s32 @!p0 $0x18;
	s18 =	sadd.s32 $0x10, s5;
	[dreg:$0x12] =	wrdreg s1  }
0x10: {  	p0 =	sgt.u32 s8, $0xC;
	s19 =	sadd.s32 $0x20, s5;
	[dreg:$0x6] =	wrdreg s18  }
0x11: {  	s6 =	sadd.s32 s7, s11;
	s20 =	sadd.s32 $0x30, s5;
	[dreg:$0x7] =	wrdreg s19  }
0x12: {  	s10 =	sshll.u32 s10, $0xB;
	s21 =	sadd.s32 $0x40, s5;
	[dreg:$0x8] =	wrdreg s20  }
0x13: {  	s17 =	sshll.u32 s13, $0xB;
	s22 =	sadd.s32 $0x50, s5;
	[dreg:$0x9] =	wrdreg s21  }
0x14: {  	s13 =	sadd.s32 $0xFFFFFFFE, s4;
	s23 =	sadd.s32 $0x60, s5;
	[dreg:$0xa] =	wrdreg s22  }
0x15: {  	s24 =	sadd.s32 $0x70, s5;
	s14 =	sadd.s32 $0x80, s5;
	[dreg:$0xb] =	wrdreg s23  }
0x16: {  	s28 =	sadd.s32 $0x90, s5;
	s11 =	sadd.s32 $0xA0, s5;
	[dreg:$0xc] =	wrdreg s24  }
0x17: {  	s26 =	sadd.s32 $0xD0, s5;
	s30 =	sadd.s32 $0xF0, s5;
	[dreg:$0xd] =	wrdreg s14  }
0x18: {  	s31 =	sadd.s32 $0x100, s5;
	s1 =	sadd.s32 $0x110, s5;
	[dreg:$0xf] =	wrdreg s28  }
0x19: {  	s7 =	sadd.s32 $0x140, s5;
	s8 =	sadd.s32 $0x150, s5;
	[dreg:$0x10] =	wrdreg s11  }
0x1a: {  	s14 =	sadd.s32 s15, s25;
	s15 =	sadd.s32 $0xB0, s5;
	s18 =	sadd.s32 s0, s17  }
0x1b: {  	s21 =	sshll.u32 s16, $0xC;
	s22 =	sadd.s32 $0x186800, s0;
	[dreg:$0x17] =	wrdreg s26  }
0x1c: {  	s23 =	sadd.s32 $0xA00, s6;
	s24 =	smax.u32 s9, $0x1;
	[dreg:$0x11] =	wrdreg s15  }
0x1d: {  	s25 =	sadd.s32 $0xC0, s5;
	s28 =	sadd.s32 $0xE0, s5;
	[dreg:$0x13] =	wrdreg s22  }
0x1e: {  	s6 =	sadd.s32 $0x130, s5;
	s9 =	sadd.s32 $0x160, s5;
	[dreg:$0x14] =	wrdreg s23  }
0x1f: {  	s11 =	sadd.s32 $0x180, s5;
	s16 =	simm.s32 $0x4;
	[dreg:$0x15] =	wrdreg s24  }
0x20: {  	s17 =	simm.s32 $0x0;
	s19 =	sadd.s32 s10, s14;
	[dreg:$0x16] =	wrdreg s25  }
0x21: {  	s20 =	sadd.s32 s21, s2;
	s22 =	sadd.s32 $0x1800, s0;
	[dreg:$0x18] =	wrdreg s28  }
0x22: {  	s0 =	sadd.s32 $0x120, s5;
	s10 =	sadd.s32 $0x170, s5;
	s29 =	smov.u32 s18  }
0x23: {  	v0 =	vimm.f32 $0.0e+00;
	s12 =	sadd.s32 $0x800, s18;
	s14 =	sadd.s32 $0xFFFFFFFD, s4;
	s15 =	simm.s32 $0x5  }
.LBB2_1:
0x24: {  	s18 =	simm.s32 $0x8000  }
0x25: {  	[tilespmem:s18], [sflag:$0x4] =	stream.linear.gather [hbm4b:s5+s3], $0x80, $0x38;
	[tilespmem:$0xBEA0] =	vst v63  }
0x26: {  	s28 =	rddreg [dreg:$0x6];
	s21 =	simm.s32 $0x8080  }
0x27: {  	[tilespmem:s21], [sflag:$0x4] =	stream.linear.gather [hbm4b:s28+s3], $0x80, $0x38;
	[tilespmem:$0xBEA0] =	vst v63  }
0x28: {  	s23 =	simm.s32 $0x8100;
	s21 =	rddreg [dreg:$0x7]  }
0x29: {  	[tilespmem:s23], [sflag:$0x4] =	stream.linear.gather [hbm4b:s21+s3], $0x80, $0x38;
	[tilespmem:$0xBEA0] =	vst v63  }
0x2a: {  	s24 =	rddreg [dreg:$0x8];
	s25 =	simm.s32 $0x8180  }
0x2b: {  	[tilespmem:s25], [sflag:$0x4] =	stream.linear.gather [hbm4b:s24+s3], $0x80, $0x38;
	[tilespmem:$0xBEA0] =	vst v63  }
0x2c: {  	s26 =	rddreg [dreg:$0x9];
	s28 =	simm.s32 $0x8200  }
0x2d: {  	[tilespmem:s28], [sflag:$0x4] =	stream.linear.gather [hbm4b:s26+s3], $0x80, $0x38;
	[tilespmem:$0xBEA0] =	vst v63  }
0x2e: {  	s21 =	rddreg [dreg:$0xa];
	s23 =	simm.s32 $0x8280  }
0x2f: {  	[tilespmem:s23], [sflag:$0x4] =	stream.linear.gather [hbm4b:s21+s3], $0x80, $0x38;
	[tilespmem:$0xBEA0] =	vst v63  }
0x30: {  	s24 =	rddreg [dreg:$0xb];
	s25 =	simm.s32 $0x8300  }
0x31: {  	[tilespmem:s25], [sflag:$0x4] =	stream.linear.gather [hbm4b:s24+s3], $0x80, $0x38;
	[tilespmem:$0xBEA0] =	vst v63  }
0x32: {  	s26 =	rddreg [dreg:$0xc];
	s28 =	simm.s32 $0x8380  }
0x33: {  	[tilespmem:s28], [sflag:$0x4] =	stream.linear.gather [hbm4b:s26+s3], $0x80, $0x38;
	[tilespmem:$0xBEA0] =	vst v63  }
0x34: {  	s21 =	rddreg [dreg:$0xd];
	s23 =	simm.s32 $0x8400  }
0x35: {  	[tilespmem:s23], [sflag:$0x4] =	stream.linear.gather [hbm4b:s21+s3], $0x80, $0x38;
	[tilespmem:$0xBEA0] =	vst v63  }
0x36: {  	s24 =	rddreg [dreg:$0xf];
	s25 =	simm.s32 $0x8480  }
0x37: {  	[tilespmem:s25], [sflag:$0x4] =	stream.linear.gather [hbm4b:s24+s3], $0x80, $0x38;
	[tilespmem:$0xBEA0] =	vst v63  }
0x38: {  	s26 =	rddreg [dreg:$0x10];
	s28 =	simm.s32 $0x8500  }
0x39: {  	[tilespmem:s28], [sflag:$0x4] =	stream.linear.gather [hbm4b:s26+s3], $0x80, $0x38;
	[tilespmem:$0xBEA0] =	vst v63  }
0x3a: {  	s21 =	rddreg [dreg:$0x11];
	s23 =	simm.s32 $0x8580  }
0x3b: {  	[tilespmem:s23], [sflag:$0x4] =	stream.linear.gather [hbm4b:s21+s3], $0x80, $0x38;
	[tilespmem:$0xBEA0] =	vst v63  }
0x3c: {  	s24 =	rddreg [dreg:$0x16];
	s25 =	simm.s32 $0x8600  }
0x3d: {  	[tilespmem:s25], [sflag:$0x4] =	stream.linear.gather [hbm4b:s24+s3], $0x80, $0x38;
	[tilespmem:$0xBEA0] =	vst v63  }
0x3e: {  	s26 =	rddreg [dreg:$0x17];
	s28 =	simm.s32 $0x8680  }
0x3f: {  	[tilespmem:s28], [sflag:$0x4] =	stream.linear.gather [hbm4b:s26+s3], $0x80, $0x38;
	[tilespmem:$0xBEA0] =	vst v63  }
0x40: {  	s21 =	rddreg [dreg:$0x18];
	s23 =	simm.s32 $0x8700  }
0x41: {  	[tilespmem:s23], [sflag:$0x4] =	stream.linear.gather [hbm4b:s21+s3], $0x80, $0x38;
	[tilespmem:$0xBEA0] =	vst v63  }
0x42: {  	s24 =	simm.s32 $0x8780  }
0x43: {  	[tilespmem:s24], [sflag:$0x4] =	stream.linear.gather [hbm4b:s30+s3], $0x80, $0x38;
	[tilespmem:$0xBEA0] =	vst v63  }
0x44: {  	s25 =	simm.s32 $0x8800  }
0x45: {  	[tilespmem:s25], [sflag:$0x4] =	stream.linear.gather [hbm4b:s31+s3], $0x80, $0x38;
	[tilespmem:$0xBEA0] =	vst v63  }
0x46: {  	s26 =	simm.s32 $0x8880  }
0x47: {  	[tilespmem:s26], [sflag:$0x4] =	stream.linear.gather [hbm4b:s1+s3], $0x80, $0x38;
	[tilespmem:$0xBEA0] =	vst v63  }
0x48: {  	s28 =	simm.s32 $0x8900  }
0x49: {  	[tilespmem:s28], [sflag:$0x4] =	stream.linear.gather [hbm4b:s0+s3], $0x80, $0x38;
	[tilespmem:$0xBEA0] =	vst v63  }
0x4a: {  	s21 =	simm.s32 $0x8980  }
0x4b: {  	[tilespmem:s21], [sflag:$0x4] =	stream.linear.gather [hbm4b:s6+s3], $0x80, $0x38;
	[tilespmem:$0xBEA0] =	vst v63  }
0x4c: {  	s23 =	simm.s32 $0x8A00  }
0x4d: {  	[tilespmem:s23], [sflag:$0x4] =	stream.linear.gather [hbm4b:s7+s3], $0x80, $0x38;
	[tilespmem:$0xBEA0] =	vst v63  }
0x4e: {  	s24 =	simm.s32 $0x8A80  }
0x4f: {  	[tilespmem:s24], [sflag:$0x4] =	stream.linear.gather [hbm4b:s8+s3], $0x80, $0x38;
	[tilespmem:$0xBEA0] =	vst v63  }
0x50: {  	s25 =	simm.s32 $0x8B00  }
0x51: {  	[tilespmem:s25], [sflag:$0x4] =	stream.linear.gather [hbm4b:s9+s3], $0x80, $0x38;
	[tilespmem:$0xBEA0] =	vst v63  }
0x52: {  	s26 =	simm.s32 $0x8B80  }
0x53: {  	[tilespmem:s26], [sflag:$0x4] =	stream.linear.gather [hbm4b:s10+s3], $0x80, $0x38;
	[tilespmem:$0xBEA0] =	vst v63  }
0x54: {  	s21 =	simm.s32 @!p0 $0x0;
	s23 =	simm.s32 @!p0 $0x8C00  }
0x55: {  	[tilespmem:s23], [sflag:$0x4] =	stream.linear.gather @!p0 [hbm4b:s11+s21], $0x80, $0x38;
	[tilespmem:$0xBEA0] =	vst v63  }
0x56: {  	_ = 	snop  }
0x57: {  	[tilespmem:s3], [sflag:$0x1] =	stream.linear.gather [hbm4b:s29+s3], $0x4000, $0x38;
	[tilespmem:$0xBEA0] =	vst v63  }
0x58: {  	s28 =	simm.s32 $0x4000;
	s21 =	simm.s32 $0x0;
	s23 =	simm.s32 $0x200  }
0x59: {  	[tilespmem:s28], [sflag:$0x2] =	stream.linear.gather [hbm4b:s12+s3], $0x4000, $0x38;
	[tilespmem:$0xBEA0] =	vst v63  }
.LBB2_2:
0x5a: {  	p2 =	sne.s32 s23, $0x3E00;
	[tilespmem:s21+$0x9F10] =	vst v0  }
0x5b: {  	[tilespmem:s21+$0x9EA0] =	vst v0  }
0x5c: {  	[tilespmem:s21+$0x9EB0] =	vst v0  }
.Ltmp0:
0x5d: {  	[tilespmem:s21+$0x9EC0] =	vst v0;
	(pc) =	sbr.rel @p2 .LBB2_2-.Ltmp0, $4  }
0x5e: {  	[tilespmem:s21+$0x9ED0] =	vst v0  }
0x5f: {  	[tilespmem:s21+$0x9EE0] =	vst v0  }
0x60: {  	[tilespmem:s21+$0x9EF0] =	vst v0  }
0x61: {  	[tilespmem:s21+$0x9F00] =	vst v0;
	s21 =	sshra.s32 s23, $0x2;
	s23 =	sadd.s32 $0x200, s23  }
0x62: {  	[tilespmem:s21+$0x9F10] =	vst v0  }
0x63: {  	[tilespmem:s21+$0x9EA0] =	vst v0  }
0x64: {  	[tilespmem:s21+$0x9EB0] =	vst v0  }
0x65: {  	[tilespmem:s21+$0x9EC0] =	vst v0  }
0x66: {  	[tilespmem:s21+$0x9ED0] =	vst v0  }
0x67: {  	[tilespmem:s21+$0x9EE0] =	vst v0  }
0x68: {  	[tilespmem:s21+$0x9EF0] =	vst v0  }
0x69: {  	[tilespmem:s21+$0x9F00] =	vst v0  }
0x6a: {  	[tilespmem:$0x9CA0] =	vst v0  }
0x6b: {  	[tilespmem:$0x9CB0] =	vst v0  }
0x6c: {  	[tilespmem:$0x9CC0] =	vst v0  }
0x6d: {  	[tilespmem:$0x9CD0] =	vst v0  }
0x6e: {  	[tilespmem:$0x9CE0] =	vst v0  }
0x6f: {  	[tilespmem:$0x9CF0] =	vst v0  }
0x70: {  	[tilespmem:$0x9D00] =	vst v0  }
0x71: {  	[tilespmem:$0x9D10] =	vst v0  }
0x72: {  	[tilespmem:$0x9D20] =	vst v0  }
0x73: {  	[tilespmem:$0x9D30] =	vst v0  }
0x74: {  	[tilespmem:$0x9D40] =	vst v0  }
0x75: {  	[tilespmem:$0x9D50] =	vst v0  }
0x76: {  	[tilespmem:$0x9D60] =	vst v0  }
0x77: {  	[tilespmem:$0x9D70] =	vst v0  }
0x78: {  	[tilespmem:$0x9D80] =	vst v0  }
0x79: {  	[tilespmem:$0x9D90] =	vst v0  }
0x7a: {  	[tilespmem:$0x9DA0] =	vst v0  }
0x7b: {  	[tilespmem:$0x9DB0] =	vst v0  }
0x7c: {  	[tilespmem:$0x9DC0] =	vst v0  }
0x7d: {  	[tilespmem:$0x9DD0] =	vst v0  }
0x7e: {  	[tilespmem:$0x9DE0] =	vst v0  }
0x7f: {  	[tilespmem:$0x9DF0] =	vst v0  }
0x80: {  	[tilespmem:$0x9E00] =	vst v0  }
0x81: {  	[tilespmem:$0x9E10] =	vst v0  }
0x82: {  	[tilespmem:$0x9E20] =	vst v0  }
0x83: {  	[tilespmem:$0x9E30] =	vst v0  }
0x84: {  	[tilespmem:$0x9E40] =	vst v0  }
0x85: {  	[tilespmem:$0x9E50] =	vst v0  }
0x86: {  	[tilespmem:$0x9E60] =	vst v0  }
0x87: {  	[tilespmem:$0x9E70] =	vst v0  }
0x88: {  	[tilespmem:$0x9E80] =	vst v0  }
0x89: {  	s18 =	simm.s32 $0x9EA0;
	[tilespmem:$0x9E90] =	vst v0  }
0x8a: {  	[spmem:s20] =	stream.linear.scatter [tilespmem:s18], [sflag:$0x5], $0x1000, $0x38;
	[tilespmem:$0xBEA0] =	vst v63  }
0x8b: {  	_ =	swait.ge [sflag:s15], $0x1000  }
0x8c: {  	[sflag:s15] =	ssyncset.done $0x0  }
0x8d: {  	[sflag:s15] =	ssyncadd.s32 $0xFFFFF000  }
0x8e: {  	[bflag:$0x0] =	sbarrier.arrive $0xFFFF  }
0x8f: {  	_ =	swait.ge [sflag:s16], $0x80  }
0x90: {  	[sflag:s16] =	ssyncset.done $0x0  }
0x91: {  	[sflag:s16] =	ssyncadd.s32 $0xFFFFFF80  }
0x92: {  	_ =	swait.ge [sflag:s16], $0x80  }
0x93: {  	[sflag:s16] =	ssyncset.done $0x0  }
0x94: {  	[sflag:s16] =	ssyncadd.s32 $0xFFFFFF80  }
0x95: {  	_ =	swait.ge [sflag:s16], $0x80  }
0x96: {  	[sflag:s16] =	ssyncset.done $0x0  }
0x97: {  	[sflag:s16] =	ssyncadd.s32 $0xFFFFFF80  }
0x98: {  	_ =	swait.ge [sflag:s16], $0x80  }
0x99: {  	[sflag:s16] =	ssyncset.done $0x0  }
0x9a: {  	[sflag:s16] =	ssyncadd.s32 $0xFFFFFF80  }
0x9b: {  	_ =	swait.ge [sflag:s16], $0x80  }
0x9c: {  	[sflag:s16] =	ssyncset.done $0x0  }
0x9d: {  	[sflag:s16] =	ssyncadd.s32 $0xFFFFFF80  }
0x9e: {  	_ =	swait.ge [sflag:s16], $0x80  }
0x9f: {  	[sflag:s16] =	ssyncset.done $0x0  }
0xa0: {  	[sflag:s16] =	ssyncadd.s32 $0xFFFFFF80  }
0xa1: {  	_ =	swait.ge [sflag:s16], $0x80  }
0xa2: {  	[sflag:s16] =	ssyncset.done $0x0  }
0xa3: {  	[sflag:s16] =	ssyncadd.s32 $0xFFFFFF80  }
0xa4: {  	_ =	swait.ge [sflag:s16], $0x80  }
0xa5: {  	[sflag:s16] =	ssyncset.done $0x0  }
0xa6: {  	[sflag:s16] =	ssyncadd.s32 $0xFFFFFF80  }
0xa7: {  	_ =	swait.ge [sflag:s16], $0x80  }
0xa8: {  	[sflag:s16] =	ssyncset.done $0x0  }
0xa9: {  	[sflag:s16] =	ssyncadd.s32 $0xFFFFFF80  }
0xaa: {  	_ =	swait.ge [sflag:s16], $0x80  }
0xab: {  	[sflag:s16] =	ssyncset.done $0x0  }
0xac: {  	[sflag:s16] =	ssyncadd.s32 $0xFFFFFF80  }
0xad: {  	_ =	swait.ge [sflag:s16], $0x80  }
0xae: {  	[sflag:s16] =	ssyncset.done $0x0  }
0xaf: {  	[sflag:s16] =	ssyncadd.s32 $0xFFFFFF80  }
0xb0: {  	_ =	swait.ge [sflag:s16], $0x80  }
0xb1: {  	[sflag:s16] =	ssyncset.done $0x0  }
0xb2: {  	[sflag:s16] =	ssyncadd.s32 $0xFFFFFF80  }
0xb3: {  	_ =	swait.ge [sflag:s16], $0x80  }
0xb4: {  	[sflag:s16] =	ssyncset.done $0x0  }
0xb5: {  	[sflag:s16] =	ssyncadd.s32 $0xFFFFFF80  }
0xb6: {  	_ =	swait.ge [sflag:s16], $0x80  }
0xb7: {  	[sflag:s16] =	ssyncset.done $0x0  }
0xb8: {  	[sflag:s16] =	ssyncadd.s32 $0xFFFFFF80  }
0xb9: {  	_ =	swait.ge [sflag:s16], $0x80  }
0xba: {  	[sflag:s16] =	ssyncset.done $0x0  }
0xbb: {  	[sflag:s16] =	ssyncadd.s32 $0xFFFFFF80  }
0xbc: {  	_ =	swait.ge [sflag:s16], $0x80  }
0xbd: {  	[sflag:s16] =	ssyncset.done $0x0  }
0xbe: {  	[sflag:s16] =	ssyncadd.s32 $0xFFFFFF80  }
0xbf: {  	_ =	swait.ge [sflag:s16], $0x80  }
0xc0: {  	[sflag:s16] =	ssyncset.done $0x0  }
0xc1: {  	[sflag:s16] =	ssyncadd.s32 $0xFFFFFF80  }
0xc2: {  	_ =	swait.ge [sflag:s16], $0x80  }
0xc3: {  	[sflag:s16] =	ssyncset.done $0x0  }
0xc4: {  	[sflag:s16] =	ssyncadd.s32 $0xFFFFFF80  }
0xc5: {  	_ =	swait.ge [sflag:s16], $0x80  }
0xc6: {  	[sflag:s16] =	ssyncset.done $0x0  }
0xc7: {  	[sflag:s16] =	ssyncadd.s32 $0xFFFFFF80  }
0xc8: {  	_ =	swait.ge [sflag:s16], $0x80  }
0xc9: {  	[sflag:s16] =	ssyncset.done $0x0  }
0xca: {  	[sflag:s16] =	ssyncadd.s32 $0xFFFFFF80  }
0xcb: {  	_ =	swait.ge [sflag:s16], $0x80  }
0xcc: {  	[sflag:s16] =	ssyncset.done $0x0  }
0xcd: {  	[sflag:s16] =	ssyncadd.s32 $0xFFFFFF80  }
0xce: {  	_ =	swait.ge [sflag:s16], $0x80  }
0xcf: {  	[sflag:s16] =	ssyncset.done $0x0  }
0xd0: {  	[sflag:s16] =	ssyncadd.s32 $0xFFFFFF80  }
0xd1: {  	_ =	swait.ge [sflag:s16], $0x80  }
0xd2: {  	[sflag:s16] =	ssyncset.done $0x0  }
0xd3: {  	[sflag:s16] =	ssyncadd.s32 $0xFFFFFF80  }
0xd4: {  	_ =	swait.ge [sflag:s16], $0x80  }
0xd5: {  	[sflag:s16] =	ssyncset.done $0x0  }
0xd6: {  	s21 =	simm.s32 @!p0 $0x4;
	[sflag:s16] =	ssyncadd.s32 $0xFFFFFF80  }
0xd7: {  	_ =	swait.ge @!p0 [sflag:s21], $0x80  }
0xd8: {  	s25 =	smov.u32 s22;
	[sflag:s21] =	ssyncset.done @!p0 $0x0  }
0xd9: {  	s23 =	simm.s32 $0x0;
	[sflag:s21] =	ssyncadd.s32 @!p0 $0xFFFFFF80;
	s21 =	simm.s32 $0x0  }
.LBB2_4:
0xda: {  	p2 =	sge.u32 s21, s4  }
0xdb: {  	s24 =	simm.s32 @!p2 $0x1  }
0xdc: {  	_ =	swait.ge @!p2 [sflag:s24], $0x4000  }
0xdd: {  	[sflag:s24] =	ssyncset.done @!p2 $0x0  }
0xde: {  	[sflag:s24] =	ssyncadd.s32 @!p2 $0xFFFFC000;
	s24 =	sshra.s32 @!p2 s23, $0x2  }
0xdf: {  	s18 =	simm.s32 @!p2 $0x80;
	s28 =	simm.s32 @!p2 $0x0;
	s26 =	sadd.s32 @!p2 $0x8000, s24  }
0xe0: {  	[spmem:s2] =	stream.indirect.scatter.add.f32 @!p2 [tilespmem:s28], [sflag:$0x3], $0x80, s26, s18, $0xb8;
	[tilespmem:$0xBEA0] =	vst v63  }
0xe1: {  	v1 =	vld @!p2 [tilespmem:s24+$0x8000];
	_ =	sdelay $0x6  }
0xe2: {  	v2 =	vimm.f32 @!p2 $1.000000000e+00;
	s18 =	simm.s32 @!p2 $0x9CA0  }
0xe3: {  	[tilespmem:v1+s18+$0x0] =	vst.idx.add.f32.msk @!p2 $0xffff, v2  }
0xe4: {  	v1 =	vld @!p2 [tilespmem:s24+$0x8010];
	_ =	sdelay $0x7  }
0xe5: {  	[tilespmem:v1+s18+$0x0] =	vst.idx.add.f32.msk @!p2 $0xffff, v2  }
0xe6: {  	v1 =	vld @!p2 [tilespmem:s24+$0x8020];
	_ =	sdelay $0x7  }
0xe7: {  	[tilespmem:v1+s18+$0x0] =	vst.idx.add.f32.msk @!p2 $0xffff, v2  }
0xe8: {  	v1 =	vld @!p2 [tilespmem:s24+$0x8030];
	_ =	sdelay $0x7  }
0xe9: {  	[tilespmem:v1+s18+$0x0] =	vst.idx.add.f32.msk @!p2 $0xffff, v2  }
0xea: {  	v1 =	vld @!p2 [tilespmem:s24+$0x8040];
	_ =	sdelay $0x7  }
0xeb: {  	[tilespmem:v1+s18+$0x0] =	vst.idx.add.f32.msk @!p2 $0xffff, v2  }
0xec: {  	v1 =	vld @!p2 [tilespmem:s24+$0x8050];
	_ =	sdelay $0x7  }
0xed: {  	[tilespmem:v1+s18+$0x0] =	vst.idx.add.f32.msk @!p2 $0xffff, v2  }
0xee: {  	v1 =	vld @!p2 [tilespmem:s24+$0x8060];
	_ =	sdelay $0x7  }
0xef: {  	[tilespmem:v1+s18+$0x0] =	vst.idx.add.f32.msk @!p2 $0xffff, v2  }
0xf0: {  	v1 =	vld @!p2 [tilespmem:s24+$0x8070];
	_ =	sdelay $0x7  }
0xf1: {  	[tilespmem:v1+s18+$0x0] =	vst.idx.add.f32.msk @!p2 $0xffff, v2;
	s18 =	simm.s32 @!p2 $0x3  }
0xf2: {  	p3 =	sge.u32 @!p2 s21, s13;
	_ =	swait.ge @!p2 [sflag:s18], $0x4000  }
0xf3: {  	p3 =	por p3, p2;
	[sflag:s18] =	ssyncset.done @!p2 $0x0  }
0xf4: {  	s28 =	sadd.s32 $0x1, s21;
	s24 =	sadd.s32 @!p3 s25, s19;
	[sflag:s18] =	ssyncadd.s32 @!p2 $0xFFFFC000  }
0xf5: {  	s18 =	sadd.s32 @!p3 $0xFFFFF800, s24;
	s24 =	simm.s32 @!p3 $0x0;
	p2 =	sge.u32 s28, s4  }
0xf6: {  	[tilespmem:s24], [sflag:$0x1] =	stream.linear.gather @!p3 [hbm4b:s18+s24], $0x4000, $0x38;
	[tilespmem:$0xBEA0] =	vst v63  }
0xf7: {  	s18 =	simm.s32 @!p2 $0x2  }
0xf8: {  	_ =	swait.ge @!p2 [sflag:s18], $0x4000  }
0xf9: {  	[sflag:s18] =	ssyncset.done @!p2 $0x0  }
0xfa: {  	[sflag:s18] =	ssyncadd.s32 @!p2 $0xFFFFC000;
	s18 =	sshra.s32 @!p2 s23, $0x2  }
0xfb: {  	s26 =	simm.s32 @!p2 $0x80;
	s28 =	simm.s32 @!p2 $0x4000;
	s24 =	sadd.s32 @!p2 $0x8080, s18  }
0xfc: {  	[spmem:s2] =	stream.indirect.scatter.add.f32 @!p2 [tilespmem:s28], [sflag:$0x3], $0x80, s24, s26, $0xb8;
	[tilespmem:$0xBEA0] =	vst v63  }
0xfd: {  	v1 =	vld @!p2 [tilespmem:s18+$0x8080];
	_ =	sdelay $0x6  }
0xfe: {  	v2 =	vimm.f32 @!p2 $1.000000000e+00;
	s24 =	simm.s32 @!p2 $0x9CA0  }
0xff: {  	[tilespmem:v1+s24+$0x0] =	vst.idx.add.f32.msk @!p2 $0xffff, v2  }
0x100: {  	v1 =	vld @!p2 [tilespmem:s18+$0x8090];
	_ =	sdelay $0x7  }
0x101: {  	[tilespmem:v1+s24+$0x0] =	vst.idx.add.f32.msk @!p2 $0xffff, v2  }
0x102: {  	v1 =	vld @!p2 [tilespmem:s18+$0x80A0];
	_ =	sdelay $0x7  }
0x103: {  	[tilespmem:v1+s24+$0x0] =	vst.idx.add.f32.msk @!p2 $0xffff, v2  }
0x104: {  	v1 =	vld @!p2 [tilespmem:s18+$0x80B0];
	_ =	sdelay $0x7  }
0x105: {  	[tilespmem:v1+s24+$0x0] =	vst.idx.add.f32.msk @!p2 $0xffff, v2  }
0x106: {  	v1 =	vld @!p2 [tilespmem:s18+$0x80C0];
	_ =	sdelay $0x7  }
0x107: {  	[tilespmem:v1+s24+$0x0] =	vst.idx.add.f32.msk @!p2 $0xffff, v2  }
0x108: {  	v1 =	vld @!p2 [tilespmem:s18+$0x80D0];
	_ =	sdelay $0x7  }
0x109: {  	[tilespmem:v1+s24+$0x0] =	vst.idx.add.f32.msk @!p2 $0xffff, v2  }
0x10a: {  	v1 =	vld @!p2 [tilespmem:s18+$0x80E0];
	_ =	sdelay $0x7  }
0x10b: {  	[tilespmem:v1+s24+$0x0] =	vst.idx.add.f32.msk @!p2 $0xffff, v2  }
0x10c: {  	v1 =	vld @!p2 [tilespmem:s18+$0x80F0];
	_ =	sdelay $0x7  }
0x10d: {  	s18 =	simm.s32 @!p2 $0x3;
	[tilespmem:v1+s24+$0x0] =	vst.idx.add.f32.msk @!p2 $0xffff, v2  }
0x10e: {  	_ =	swait.ge @!p2 [sflag:s18], $0x4000  }
0x10f: {  	p3 =	sge.u32 @!p2 s21, s14;
	[sflag:s18] =	ssyncset.done @!p2 $0x0  }
0x110: {  	s23 =	sadd.s32 $0x400, s23;
	[sflag:s18] =	ssyncadd.s32 @!p2 $0xFFFFC000;
	p2 =	por p3, p2  }
0x111: {  	s18 =	sadd.s32 @!p2 s25, s19;
	s24 =	simm.s32 @!p2 $0x0;
	s26 =	simm.s32 @!p2 $0x4000  }
0x112: {  	[tilespmem:s26], [sflag:$0x2] =	stream.linear.gather @!p2 [hbm4b:s18+s24], $0x4000, $0x38;
	[tilespmem:$0xBEA0] =	vst v63  }
0x113: {  	p2 =	sne.s32 s23, $0x3400  }
.Ltmp1:
0x114: {  	_ = 	snop;
	(pc) =	sbr.rel @p2 .LBB2_4-.Ltmp1, $2  }
0x115: {  	_ =	sdelay $0x2  }
0x116: {  	s21 =	sadd.s32 $0x2, s21;
	s25 =	sadd.s32 $0x1000, s25  }
0x117: {  	s18 =	simm.s32 @!p1 $0x0;
	s21 =	simm.s32 @!p1 $0x9C80;
	s23 =	rddreg [dreg:$0x12]  }
0x118: {  	[tilespmem:s21], [sflag:$0x5] =	stream.linear.gather @!p1 [hbm4b:s23+s18], $0x20, $0x38;
	[tilespmem:$0xBEA0] =	vst v63  }
0x119: {  	s23 =	simm.s32 @!p1 $0x5  }
0x11a: {  	_ =	swait.ge @!p1 [sflag:s23], $0x20  }
0x11b: {  	[sflag:s23] =	ssyncset.done @!p1 $0x0  }
0x11c: {  	s24 =	simm.s32 @!p1 $0x8C80;
	s25 =	rddreg [dreg:$0x13];
	[sflag:s23] =	ssyncadd.s32 @!p1 $0xFFFFFFE0  }
0x11d: {  	[tilespmem:s24], [sflag:$0x5] =	stream.linear.gather @!p1 [hbm4b:s25+s18], $0x1000, $0x38;
	[tilespmem:$0xBEA0] =	vst v63  }
0x11e: {  	_ =	swait.ge @!p1 [sflag:s23], $0x1000  }
0x11f: {  	[sflag:s23] =	ssyncset.done @!p1 $0x0  }
0x120: {  	s18 =	simm.s32 @!p1 $0x20;
	[sflag:s23] =	ssyncadd.s32 @!p1 $0xFFFFF000  }
0x121: {  	[spmem:s2] =	stream.indirect.scatter.add.f32 @!p1 [tilespmem:s24], [sflag:$0x5], $0x80, s21, s18, $0xb8;
	[tilespmem:$0xBEA0] =	vst v63  }
0x122: {  	_ =	swait.ge @!p1 [sflag:s23], $0x1000  }
0x123: {  	[sflag:s23] =	ssyncset.done @!p1 $0x0  }
0x124: {  	[sflag:s23] =	ssyncadd.s32 @!p1 $0xFFFFF000  }
0x125: {  	v1 =	vld @!p1 [tilespmem:$0x9C80];
	_ =	sdelay $0x6  }
0x126: {  	v2 =	vimm.f32 @!p1 $1.000000000e+00;
	s18 =	simm.s32 @!p1 $0x9CA0  }
0x127: {  	[tilespmem:v1+s18+$0x0] =	vst.idx.add.f32.msk @!p1 $0xffff, v2  }
0x128: {  	v1 =	vld @!p1 [tilespmem:$0x9C90];
	_ =	sdelay $0x7  }
0x129: {  	s21 =	rddreg [dreg:$0xe];
	s23 =	simm.s32 $0x9CA0;
	[tilespmem:v1+s18+$0x0] =	vst.idx.add.f32.msk @!p1 $0xffff, v2  }
0x12a: {  	[hbm4b:s21+s3] =	stream.linear.scatter [tilespmem:s23], [sflag:$0x5], $0x200, $0x38;
	[tilespmem:$0xBEA0] =	vst v63  }
0x12b: {  	_ =	swait.ge [sflag:s15], $0x200  }
0x12c: {  	[sflag:s15] =	ssyncset.done $0x0  }
0x12d: {  	s24 =	stileid.u32;
	[sflag:s15] =	ssyncadd.s32 $0xFFFFFE00  }
0x12e: {  	s18 =	sshll.u32 s24, $0x6;
	[bflag:$0x0] =	sbarrier.arrive $0xFFFF  }
0x12f: {  	s25 =	sshrl.u32 s20, $0x3;
	s18 =	sor.u32 $0x1C05, s18;
	s26 =	rddreg [dreg:$0x14]  }
0x130: {  	[hbm:s26], [sflag:s18] =	dma.local [spmem:s25], $0x200  }
0x131: {  	_ =	swait.ge [sflag:s15], $0x200  }
0x132: {  	s17 =	sadd.s32 $0x1, s17;
	s28 =	rddreg [dreg:$0x15]  }
0x133: {  	p2 =	sne.s32 s17, s28  }
.Ltmp2:
0x134: {  	_ = 	snop;
	(pc) =	sbr.rel @p2 .LBB2_1-.Ltmp2, $3  }
0x135: {  	_ =	sdelay $0x1  }
0x136: {  	[sflag:s15] =	ssyncset.done $0x0  }
0x137: {  	[sflag:s15] =	ssyncadd.s32 $0xFFFFFE00  }
0x138: {  	_ =	sfence.sel $0x180000  }
0x139: {  	[bflag:$0x0] =	sbarrier.arrive $0xFFFF  }
0x13a: {  	_ =	strace $0x90000047  }
0x13b: {  	s0 =	stileid.u32;
	[bflag:$0x2] =	sbarrier.arrive $0xFFFF  }
0x13c: {  	p0 =	sne.s32 s0, $0x0;
	s0 =	rddreg [dreg:$0x5]  }
0x13d: {  	s0 =	sadd.s32 @!p0 $0x100000, s0  }
0x13e: {  	[sflag:s0] =	ssyncadd.tile.s32 @!p0 $0x1;
	_ =	shalt  }
.Lfunc_end2:
_tile_overlayer_lowered:
.L_overlay_start_2:
0x13f: {  	(tag) =	ssettag $0x2  }
0x140: {  	s0 =	rddreg [dreg:$0x0];
	s2 =	stileid.u32  }
0x141: {  	s1 =	rddreg [dreg:$0x1];
	p0 =	sne.s32 s2, $0x0  }
0x142: {  	s3 =	rddreg [dreg:$0x2];
	[bflag:$0x3] =	sbarrier.arrive $0xFFFF;
	s2 =	simm.s32 @!p0 $0x1C05  }
0x143: {  	[timem:s3], [sflag:s2] =	dma.local @!p0 [hbm:s0], s1  }
0x144: {  	s0 =	simm.s32 @!p0 $0x5  }
0x145: {  	_ =	swait.ge @!p0 [sflag:s0], s1  }
0x146: {  	s1 =	ssub.s32 @!p0 $0x0, s1;
	[sflag:s0] =	ssyncset.done @!p0 $0x0  }
0x147: {  	[sflag:s0] =	ssyncadd.s32 @!p0 s1  }
0x148: {  	[bflag:$0x3] =	sbarrier.arrive $0xFFFF  }
0x149: {  	_ =	shalt  }

</sc_bundles>
